<compile_context>
chip_gen: v7x
topology: tpu7x:2x2x1
jax: 0.10.2.dev20260603
libtpu: 0.0.44.dev20260713+nightly
codegen_flags: <defaults>
</compile_context>

<pallas_src>
import functools

import jax
import jax.numpy as jnp
from jax import lax
from jax.experimental import pallas as pl
from jax.experimental.pallas import tpu as pltpu
from jax.experimental.pallas import tpu_sc as plsc

HIDDEN = 2048
NUM_WORKERS = 32
CHUNK = 8
NBUF = 7


def _emb_body(idx_hbm, table_hbm, out_hbm, idx_v, *rest, bpw, n_chunks):
    bufs = rest[:NBUF]
    gsems = rest[NBUF:2 * NBUF]
    wsems = rest[2 * NBUF:3 * NBUF]
    wid = lax.axis_index("s") * 2 + lax.axis_index("c")
    base = wid * bpw
    pltpu.sync_copy(idx_hbm.at[pl.ds(base, bpw)], idx_v)

    def gather(g, b):
        return pltpu.make_async_copy(
            table_hbm.at[idx_v.at[pl.ds(g * CHUNK, CHUNK)]], bufs[b], gsems[b]
        )

    def write(g, b):
        return pltpu.make_async_copy(
            bufs[b], out_hbm.at[pl.ds(base + g * CHUNK, CHUNK)], wsems[b]
        )

    for b in range(NBUF):
        gather(b, b).start()

    def body(k, carry):
        g0 = NBUF * k
        for b in range(NBUF):
            gather(g0 + b, b).wait()
            write(g0 + b, b).start()
        for b in range(NBUF):
            g = g0 + b

            @pl.when(g + NBUF < n_chunks)
            def _():
                write(g, b).wait()
                gather(g + NBUF, b).start()

        return carry

    n_rounds = n_chunks // NBUF
    lax.fori_loop(0, n_rounds, body, 0)
    for g in range(n_rounds * NBUF, n_chunks):
        gather(g, g % NBUF).wait()
        write(g, g % NBUF).start()
    for g in range(n_chunks - NBUF, n_chunks):
        write(g, g % NBUF).wait()


def kernel(input_ids, table):
    b, t = input_ids.shape
    n = b * t
    idx = input_ids.reshape(n).astype(jnp.int32)
    bpw = n // NUM_WORKERS
    n_chunks = bpw // CHUNK

    mesh = plsc.VectorSubcoreMesh(core_axis_name="c", subcore_axis_name="s")
    emb = pl.kernel(
        functools.partial(_emb_body, bpw=bpw, n_chunks=n_chunks),
        mesh=mesh,
        out_type=jax.ShapeDtypeStruct((n, HIDDEN), jnp.float32),
        scratch_types=(
            [pltpu.VMEM((bpw,), jnp.int32)]
            + [pltpu.VMEM((CHUNK, HIDDEN), jnp.float32)] * NBUF
            + [pltpu.SemaphoreType.DMA] * (2 * NBUF)
        ),
    )
    out = emb(idx, table)
    return out.reshape(b, t, HIDDEN)

# --- scband reference (transcript-rebuilt; emitter-appended) ---
"""Pipeline reference for scband-ol-mo-eembedding-68564857913938 (READ-ONLY COPY).

The authoritative reference and input builder live on the scoring server;
editing this copy changes nothing except your own understanding.
"""

import jax, jax.numpy as jnp
import numpy as np

VOCAB = 100000
HIDDEN = 2048

def setup_inputs(seed: int = 0) -> dict:
    key = jax.random.key(seed)
    k_idx, k_tab = jax.random.split(key)
    input_ids = jax.random.randint(k_idx, (4, 4096), 0, VOCAB, dtype=jnp.int64 if jax.config.jax_enable_x64 else jnp.int32)
    table = jax.random.normal(k_tab, (VOCAB, HIDDEN), dtype=jnp.float32) * 0.02
    return {"input_ids": input_ids, "table": table}

def reference(input_ids, table):
    # nn.Embedding forward: gather rows of the table by token id
    return jnp.take(table, input_ids, axis=0)

if __name__ == "__main__":
    import jax
    _d = setup_inputs()
    print(jax.jit(kernel)(*tuple(_d.values())))

</pallas_src>

<mosaic_0001>
#map = affine_map<(d0, d1) -> (0)>
#map1 = affine_map<(d0, d1) -> (0, 0)>
module attributes {stable_mosaic.version = 14 : i64} {
  func.func @_emb_body(%arg0: i32, %arg1: i32, %arg2: memref<16384xi32, #tpu.memory_space<hbm>>, %arg3: memref<100000x2048xf32, #tpu.memory_space<hbm>>, %arg4: memref<16384x2048xf32, #tpu.memory_space<hbm>>, %arg5: memref<512xi32, #tpu.memory_space<vmem>>, %arg6: memref<8x2048xf32, #tpu.memory_space<vmem>>, %arg7: memref<8x2048xf32, #tpu.memory_space<vmem>>, %arg8: memref<8x2048xf32, #tpu.memory_space<vmem>>, %arg9: memref<8x2048xf32, #tpu.memory_space<vmem>>, %arg10: memref<8x2048xf32, #tpu.memory_space<vmem>>, %arg11: memref<8x2048xf32, #tpu.memory_space<vmem>>, %arg12: memref<8x2048xf32, #tpu.memory_space<vmem>>, %arg13: memref<!tpu.dma_semaphore, #tpu.memory_space<semaphore_mem>>, %arg14: memref<!tpu.dma_semaphore, #tpu.memory_space<semaphore_mem>>, %arg15: memref<!tpu.dma_semaphore, #tpu.memory_space<semaphore_mem>>, %arg16: memref<!tpu.dma_semaphore, #tpu.memory_space<semaphore_mem>>, %arg17: memref<!tpu.dma_semaphore, #tpu.memory_space<semaphore_mem>>, %arg18: memref<!tpu.dma_semaphore, #tpu.memory_space<semaphore_mem>>, %arg19: memref<!tpu.dma_semaphore, #tpu.memory_space<semaphore_mem>>, %arg20: memref<!tpu.dma_semaphore, #tpu.memory_space<semaphore_mem>>, %arg21: memref<!tpu.dma_semaphore, #tpu.memory_space<semaphore_mem>>, %arg22: memref<!tpu.dma_semaphore, #tpu.memory_space<semaphore_mem>>, %arg23: memref<!tpu.dma_semaphore, #tpu.memory_space<semaphore_mem>>, %arg24: memref<!tpu.dma_semaphore, #tpu.memory_space<semaphore_mem>>, %arg25: memref<!tpu.dma_semaphore, #tpu.memory_space<semaphore_mem>>, %arg26: memref<!tpu.dma_semaphore, #tpu.memory_space<semaphore_mem>>) attributes {dimension_semantics = [#tpu.dimension_semantics<core_parallel>, #tpu.dimension_semantics<subcore_parallel>], iteration_bounds = array<i64: 2, 16>, scalar_prefetch = 0 : i64, scratch_operands = 22 : i64, tpu.core_type = #tpu.core_type<sc_vector_subcore>, window_params = [{transform_indices = #map}, {transform_indices = #map1}, {transform_indices = #map1}]} {
    %mul3A = arith.constant 2 : i32
    %mul3A_0 = arith.muli %arg1, %mul3A : i32
    %add3A = arith.addi %mul3A_0, %arg0 : i32
    %mul3A_1 = arith.constant 512 : i32
    %mul3A_2 = arith.muli %add3A, %mul3A_1 : i32
    "tpu.region"() ({
      %run_scoped3A = tpu.sem_alloc : memref<!tpu.dma_semaphore, #tpu.memory_space<semaphore_mem>>
      %dma_start3A_94 = tpu.memref_slice %arg2[%mul3A_2] : memref<16384xi32, #tpu.memory_space<hbm>> -> memref<512xi32, #tpu.memory_space<hbm>>
      %dma_start3A_95 = tpu.memref_slice %arg2[%mul3A_2] : memref<16384xi32, #tpu.memory_space<hbm>> -> memref<512xi32, #tpu.memory_space<hbm>>
      tpu.enqueue_dma source(%dma_start3A_95 : memref<512xi32, #tpu.memory_space<hbm>>) target(%arg5 : memref<512xi32, #tpu.memory_space<vmem>>) target_semaphore(%run_scoped3A : memref<!tpu.dma_semaphore, #tpu.memory_space<semaphore_mem>>)
      %dma_wait3A_96 = tpu.memref_slice %arg2[%mul3A_2] : memref<16384xi32, #tpu.memory_space<hbm>> -> memref<512xi32, #tpu.memory_space<hbm>>
      %dma_wait3A_97 = tpu.memref_slice %arg2[%mul3A_2] : memref<16384xi32, #tpu.memory_space<hbm>> -> memref<512xi32, #tpu.memory_space<hbm>>
      tpu.wait_dma2 semaphore(%run_scoped3A : memref<!tpu.dma_semaphore, #tpu.memory_space<semaphore_mem>>) src(%dma_wait3A_97 : memref<512xi32, #tpu.memory_space<hbm>>) dst(%arg5 : memref<512xi32, #tpu.memory_space<vmem>>)
      tpu.yield
    }) : () -> ()
    %dma_start3A = arith.constant 0 : i32
    %dma_start3A_3 = tpu.memref_slice %arg5[%dma_start3A] : memref<512xi32, #tpu.memory_space<vmem>> -> memref<8xi32, #tpu.memory_space<vmem>>
    %dma_start3A_4 = arith.constant 0 : i32
    %dma_start3A_5 = arith.constant 0 : i32
    %dma_start3A_6 = tpu.memref_slice %arg3[%dma_start3A_4, %dma_start3A_5] : memref<100000x2048xf32, #tpu.memory_space<hbm>> -> memref<100000x2048xf32, #tpu.memory_space<hbm>>
    tpu.enqueue_indirect_dma source(%dma_start3A_6 : memref<100000x2048xf32, #tpu.memory_space<hbm>>) target(%arg6 : memref<8x2048xf32, #tpu.memory_space<vmem>>) offsets(%dma_start3A_3 : memref<8xi32, #tpu.memory_space<vmem>>) semaphore(%arg13 : memref<!tpu.dma_semaphore, #tpu.memory_space<semaphore_mem>>)
    %dma_start3A_7 = arith.constant 8 : i32
    %dma_start3A_8 = tpu.memref_slice %arg5[%dma_start3A_7] : memref<512xi32, #tpu.memory_space<vmem>> -> memref<8xi32, #tpu.memory_space<vmem>>
    %dma_start3A_9 = arith.constant 0 : i32
    %dma_start3A_10 = arith.constant 0 : i32
    %dma_start3A_11 = tpu.memref_slice %arg3[%dma_start3A_9, %dma_start3A_10] : memref<100000x2048xf32, #tpu.memory_space<hbm>> -> memref<100000x2048xf32, #tpu.memory_space<hbm>>
    tpu.enqueue_indirect_dma source(%dma_start3A_11 : memref<100000x2048xf32, #tpu.memory_space<hbm>>) target(%arg7 : memref<8x2048xf32, #tpu.memory_space<vmem>>) offsets(%dma_start3A_8 : memref<8xi32, #tpu.memory_space<vmem>>) semaphore(%arg14 : memref<!tpu.dma_semaphore, #tpu.memory_space<semaphore_mem>>)
    %dma_start3A_12 = arith.constant 16 : i32
    %dma_start3A_13 = tpu.memref_slice %arg5[%dma_start3A_12] : memref<512xi32, #tpu.memory_space<vmem>> -> memref<8xi32, #tpu.memory_space<vmem>>
    %dma_start3A_14 = arith.constant 0 : i32
    %dma_start3A_15 = arith.constant 0 : i32
    %dma_start3A_16 = tpu.memref_slice %arg3[%dma_start3A_14, %dma_start3A_15] : memref<100000x2048xf32, #tpu.memory_space<hbm>> -> memref<100000x2048xf32, #tpu.memory_space<hbm>>
    tpu.enqueue_indirect_dma source(%dma_start3A_16 : memref<100000x2048xf32, #tpu.memory_space<hbm>>) target(%arg8 : memref<8x2048xf32, #tpu.memory_space<vmem>>) offsets(%dma_start3A_13 : memref<8xi32, #tpu.memory_space<vmem>>) semaphore(%arg15 : memref<!tpu.dma_semaphore, #tpu.memory_space<semaphore_mem>>)
    %dma_start3A_17 = arith.constant 24 : i32
    %dma_start3A_18 = tpu.memref_slice %arg5[%dma_start3A_17] : memref<512xi32, #tpu.memory_space<vmem>> -> memref<8xi32, #tpu.memory_space<vmem>>
    %dma_start3A_19 = arith.constant 0 : i32
    %dma_start3A_20 = arith.constant 0 : i32
    %dma_start3A_21 = tpu.memref_slice %arg3[%dma_start3A_19, %dma_start3A_20] : memref<100000x2048xf32, #tpu.memory_space<hbm>> -> memref<100000x2048xf32, #tpu.memory_space<hbm>>
    tpu.enqueue_indirect_dma source(%dma_start3A_21 : memref<100000x2048xf32, #tpu.memory_space<hbm>>) target(%arg9 : memref<8x2048xf32, #tpu.memory_space<vmem>>) offsets(%dma_start3A_18 : memref<8xi32, #tpu.memory_space<vmem>>) semaphore(%arg16 : memref<!tpu.dma_semaphore, #tpu.memory_space<semaphore_mem>>)
    %dma_start3A_22 = arith.constant 32 : i32
    %dma_start3A_23 = tpu.memref_slice %arg5[%dma_start3A_22] : memref<512xi32, #tpu.memory_space<vmem>> -> memref<8xi32, #tpu.memory_space<vmem>>
    %dma_start3A_24 = arith.constant 0 : i32
    %dma_start3A_25 = arith.constant 0 : i32
    %dma_start3A_26 = tpu.memref_slice %arg3[%dma_start3A_24, %dma_start3A_25] : memref<100000x2048xf32, #tpu.memory_space<hbm>> -> memref<100000x2048xf32, #tpu.memory_space<hbm>>
    tpu.enqueue_indirect_dma source(%dma_start3A_26 : memref<100000x2048xf32, #tpu.memory_space<hbm>>) target(%arg10 : memref<8x2048xf32, #tpu.memory_space<vmem>>) offsets(%dma_start3A_23 : memref<8xi32, #tpu.memory_space<vmem>>) semaphore(%arg17 : memref<!tpu.dma_semaphore, #tpu.memory_space<semaphore_mem>>)
    %dma_start3A_27 = arith.constant 40 : i32
    %dma_start3A_28 = tpu.memref_slice %arg5[%dma_start3A_27] : memref<512xi32, #tpu.memory_space<vmem>> -> memref<8xi32, #tpu.memory_space<vmem>>
    %dma_start3A_29 = arith.constant 0 : i32
    %dma_start3A_30 = arith.constant 0 : i32
    %dma_start3A_31 = tpu.memref_slice %arg3[%dma_start3A_29, %dma_start3A_30] : memref<100000x2048xf32, #tpu.memory_space<hbm>> -> memref<100000x2048xf32, #tpu.memory_space<hbm>>
    tpu.enqueue_indirect_dma source(%dma_start3A_31 : memref<100000x2048xf32, #tpu.memory_space<hbm>>) target(%arg11 : memref<8x2048xf32, #tpu.memory_space<vmem>>) offsets(%dma_start3A_28 : memref<8xi32, #tpu.memory_space<vmem>>) semaphore(%arg18 : memref<!tpu.dma_semaphore, #tpu.memory_space<semaphore_mem>>)
    %dma_start3A_32 = arith.constant 48 : i32
    %dma_start3A_33 = tpu.memref_slice %arg5[%dma_start3A_32] : memref<512xi32, #tpu.memory_space<vmem>> -> memref<8xi32, #tpu.memory_space<vmem>>
    %dma_start3A_34 = arith.constant 0 : i32
    %dma_start3A_35 = arith.constant 0 : i32
    %dma_start3A_36 = tpu.memref_slice %arg3[%dma_start3A_34, %dma_start3A_35] : memref<100000x2048xf32, #tpu.memory_space<hbm>> -> memref<100000x2048xf32, #tpu.memory_space<hbm>>
    tpu.enqueue_indirect_dma source(%dma_start3A_36 : memref<100000x2048xf32, #tpu.memory_space<hbm>>) target(%arg12 : memref<8x2048xf32, #tpu.memory_space<vmem>>) offsets(%dma_start3A_33 : memref<8xi32, #tpu.memory_space<vmem>>) semaphore(%arg19 : memref<!tpu.dma_semaphore, #tpu.memory_space<semaphore_mem>>)
    %scan3A = arith.constant 0 : i32
    %scan3A_37 = arith.constant 0 : i32
    %scan3A_38 = arith.constant 9 : i32
    %scan3A_39 = arith.addi %scan3A_37, %scan3A_38 : i32
    %scan3A_40 = arith.constant 1 : i32
    scf.for %scan3A_94 = %scan3A_37 to %scan3A_39 step %scan3A_40  : i32 {
      %mul3A_95 = arith.constant 7 : i32
      %mul3A_96 = arith.muli %mul3A_95, %scan3A_94 : i32
      %add3A_97 = arith.constant 0 : i32
      %add3A_98 = arith.addi %mul3A_96, %add3A_97 : i32
      %mul3A_99 = arith.constant 8 : i32
      %mul3A_100 = arith.muli %add3A_98, %mul3A_99 : i32
      %dma_wait3A_101 = tpu.memref_slice %arg5[%mul3A_100] : memref<512xi32, #tpu.memory_space<vmem>> -> memref<8xi32, #tpu.memory_space<vmem>>
      %dma_wait3A_102 = arith.constant 0 : i32
      %dma_wait3A_103 = arith.constant 0 : i32
      %dma_wait3A_104 = tpu.memref_slice %arg3[%dma_wait3A_102, %dma_wait3A_103] : memref<100000x2048xf32, #tpu.memory_space<hbm>> -> memref<100000x2048xf32, #tpu.memory_space<hbm>>
      tpu.wait_indirect_dma semaphore(%arg13 : memref<!tpu.dma_semaphore, #tpu.memory_space<semaphore_mem>>) src(%dma_wait3A_104 : memref<100000x2048xf32, #tpu.memory_space<hbm>>) dst(%arg6 : memref<8x2048xf32, #tpu.memory_space<vmem>>)
      %add3A_105 = arith.constant 0 : i32
      %add3A_106 = arith.addi %mul3A_96, %add3A_105 : i32
      %mul3A_107 = arith.constant 8 : i32
      %mul3A_108 = arith.muli %add3A_106, %mul3A_107 : i32
      %add3A_109 = arith.addi %mul3A_2, %mul3A_108 : i32
      %dma_start3A_110 = arith.constant 0 : i32
      %dma_start3A_111 = tpu.memref_slice %arg4[%add3A_109, %dma_start3A_110] : memref<16384x2048xf32, #tpu.memory_space<hbm>> -> memref<8x2048xf32, #tpu.memory_space<hbm>>
      %dma_start3A_112 = arith.constant 0 : i32
      %dma_start3A_113 = tpu.memref_slice %arg4[%add3A_109, %dma_start3A_112] : memref<16384x2048xf32, #tpu.memory_space<hbm>> -> memref<8x2048xf32, #tpu.memory_space<hbm>>
      tpu.enqueue_dma source(%arg6 : memref<8x2048xf32, #tpu.memory_space<vmem>>) target(%dma_start3A_113 : memref<8x2048xf32, #tpu.memory_space<hbm>>) target_semaphore(%arg20 : memref<!tpu.dma_semaphore, #tpu.memory_space<semaphore_mem>>)
      %add3A_114 = arith.constant 1 : i32
      %add3A_115 = arith.addi %mul3A_96, %add3A_114 : i32
      %mul3A_116 = arith.constant 8 : i32
      %mul3A_117 = arith.muli %add3A_115, %mul3A_116 : i32
      %dma_wait3A_118 = tpu.memref_slice %arg5[%mul3A_117] : memref<512xi32, #tpu.memory_space<vmem>> -> memref<8xi32, #tpu.memory_space<vmem>>
      %dma_wait3A_119 = arith.constant 0 : i32
      %dma_wait3A_120 = arith.constant 0 : i32
      %dma_wait3A_121 = tpu.memref_slice %arg3[%dma_wait3A_119, %dma_wait3A_120] : memref<100000x2048xf32, #tpu.memory_space<hbm>> -> memref<100000x2048xf32, #tpu.memory_space<hbm>>
      tpu.wait_indirect_dma semaphore(%arg14 : memref<!tpu.dma_semaphore, #tpu.memory_space<semaphore_mem>>) src(%dma_wait3A_121 : memref<100000x2048xf32, #tpu.memory_space<hbm>>) dst(%arg7 : memref<8x2048xf32, #tpu.memory_space<vmem>>)
      %add3A_122 = arith.constant 1 : i32
      %add3A_123 = arith.addi %mul3A_96, %add3A_122 : i32
      %mul3A_124 = arith.constant 8 : i32
      %mul3A_125 = arith.muli %add3A_123, %mul3A_124 : i32
      %add3A_126 = arith.addi %mul3A_2, %mul3A_125 : i32
      %dma_start3A_127 = arith.constant 0 : i32
      %dma_start3A_128 = tpu.memref_slice %arg4[%add3A_126, %dma_start3A_127] : memref<16384x2048xf32, #tpu.memory_space<hbm>> -> memref<8x2048xf32, #tpu.memory_space<hbm>>
      %dma_start3A_129 = arith.constant 0 : i32
      %dma_start3A_130 = tpu.memref_slice %arg4[%add3A_126, %dma_start3A_129] : memref<16384x2048xf32, #tpu.memory_space<hbm>> -> memref<8x2048xf32, #tpu.memory_space<hbm>>
      tpu.enqueue_dma source(%arg7 : memref<8x2048xf32, #tpu.memory_space<vmem>>) target(%dma_start3A_130 : memref<8x2048xf32, #tpu.memory_space<hbm>>) target_semaphore(%arg21 : memref<!tpu.dma_semaphore, #tpu.memory_space<semaphore_mem>>)
      %add3A_131 = arith.constant 2 : i32
      %add3A_132 = arith.addi %mul3A_96, %add3A_131 : i32
      %mul3A_133 = arith.constant 8 : i32
      %mul3A_134 = arith.muli %add3A_132, %mul3A_133 : i32
      %dma_wait3A_135 = tpu.memref_slice %arg5[%mul3A_134] : memref<512xi32, #tpu.memory_space<vmem>> -> memref<8xi32, #tpu.memory_space<vmem>>
      %dma_wait3A_136 = arith.constant 0 : i32
      %dma_wait3A_137 = arith.constant 0 : i32
      %dma_wait3A_138 = tpu.memref_slice %arg3[%dma_wait3A_136, %dma_wait3A_137] : memref<100000x2048xf32, #tpu.memory_space<hbm>> -> memref<100000x2048xf32, #tpu.memory_space<hbm>>
      tpu.wait_indirect_dma semaphore(%arg15 : memref<!tpu.dma_semaphore, #tpu.memory_space<semaphore_mem>>) src(%dma_wait3A_138 : memref<100000x2048xf32, #tpu.memory_space<hbm>>) dst(%arg8 : memref<8x2048xf32, #tpu.memory_space<vmem>>)
      %add3A_139 = arith.constant 2 : i32
      %add3A_140 = arith.addi %mul3A_96, %add3A_139 : i32
      %mul3A_141 = arith.constant 8 : i32
      %mul3A_142 = arith.muli %add3A_140, %mul3A_141 : i32
      %add3A_143 = arith.addi %mul3A_2, %mul3A_142 : i32
      %dma_start3A_144 = arith.constant 0 : i32
      %dma_start3A_145 = tpu.memref_slice %arg4[%add3A_143, %dma_start3A_144] : memref<16384x2048xf32, #tpu.memory_space<hbm>> -> memref<8x2048xf32, #tpu.memory_space<hbm>>
      %dma_start3A_146 = arith.constant 0 : i32
      %dma_start3A_147 = tpu.memref_slice %arg4[%add3A_143, %dma_start3A_146] : memref<16384x2048xf32, #tpu.memory_space<hbm>> -> memref<8x2048xf32, #tpu.memory_space<hbm>>
      tpu.enqueue_dma source(%arg8 : memref<8x2048xf32, #tpu.memory_space<vmem>>) target(%dma_start3A_147 : memref<8x2048xf32, #tpu.memory_space<hbm>>) target_semaphore(%arg22 : memref<!tpu.dma_semaphore, #tpu.memory_space<semaphore_mem>>)
      %add3A_148 = arith.constant 3 : i32
      %add3A_149 = arith.addi %mul3A_96, %add3A_148 : i32
      %mul3A_150 = arith.constant 8 : i32
      %mul3A_151 = arith.muli %add3A_149, %mul3A_150 : i32
      %dma_wait3A_152 = tpu.memref_slice %arg5[%mul3A_151] : memref<512xi32, #tpu.memory_space<vmem>> -> memref<8xi32, #tpu.memory_space<vmem>>
      %dma_wait3A_153 = arith.constant 0 : i32
      %dma_wait3A_154 = arith.constant 0 : i32
      %dma_wait3A_155 = tpu.memref_slice %arg3[%dma_wait3A_153, %dma_wait3A_154] : memref<100000x2048xf32, #tpu.memory_space<hbm>> -> memref<100000x2048xf32, #tpu.memory_space<hbm>>
      tpu.wait_indirect_dma semaphore(%arg16 : memref<!tpu.dma_semaphore, #tpu.memory_space<semaphore_mem>>) src(%dma_wait3A_155 : memref<100000x2048xf32, #tpu.memory_space<hbm>>) dst(%arg9 : memref<8x2048xf32, #tpu.memory_space<vmem>>)
      %add3A_156 = arith.constant 3 : i32
      %add3A_157 = arith.addi %mul3A_96, %add3A_156 : i32
      %mul3A_158 = arith.constant 8 : i32
      %mul3A_159 = arith.muli %add3A_157, %mul3A_158 : i32
      %add3A_160 = arith.addi %mul3A_2, %mul3A_159 : i32
      %dma_start3A_161 = arith.constant 0 : i32
      %dma_start3A_162 = tpu.memref_slice %arg4[%add3A_160, %dma_start3A_161] : memref<16384x2048xf32, #tpu.memory_space<hbm>> -> memref<8x2048xf32, #tpu.memory_space<hbm>>
      %dma_start3A_163 = arith.constant 0 : i32
      %dma_start3A_164 = tpu.memref_slice %arg4[%add3A_160, %dma_start3A_163] : memref<16384x2048xf32, #tpu.memory_space<hbm>> -> memref<8x2048xf32, #tpu.memory_space<hbm>>
      tpu.enqueue_dma source(%arg9 : memref<8x2048xf32, #tpu.memory_space<vmem>>) target(%dma_start3A_164 : memref<8x2048xf32, #tpu.memory_space<hbm>>) target_semaphore(%arg23 : memref<!tpu.dma_semaphore, #tpu.memory_space<semaphore_mem>>)
      %add3A_165 = arith.constant 4 : i32
      %add3A_166 = arith.addi %mul3A_96, %add3A_165 : i32
      %mul3A_167 = arith.constant 8 : i32
      %mul3A_168 = arith.muli %add3A_166, %mul3A_167 : i32
      %dma_wait3A_169 = tpu.memref_slice %arg5[%mul3A_168] : memref<512xi32, #tpu.memory_space<vmem>> -> memref<8xi32, #tpu.memory_space<vmem>>
      %dma_wait3A_170 = arith.constant 0 : i32
      %dma_wait3A_171 = arith.constant 0 : i32
      %dma_wait3A_172 = tpu.memref_slice %arg3[%dma_wait3A_170, %dma_wait3A_171] : memref<100000x2048xf32, #tpu.memory_space<hbm>> -> memref<100000x2048xf32, #tpu.memory_space<hbm>>
      tpu.wait_indirect_dma semaphore(%arg17 : memref<!tpu.dma_semaphore, #tpu.memory_space<semaphore_mem>>) src(%dma_wait3A_172 : memref<100000x2048xf32, #tpu.memory_space<hbm>>) dst(%arg10 : memref<8x2048xf32, #tpu.memory_space<vmem>>)
      %add3A_173 = arith.constant 4 : i32
      %add3A_174 = arith.addi %mul3A_96, %add3A_173 : i32
      %mul3A_175 = arith.constant 8 : i32
      %mul3A_176 = arith.muli %add3A_174, %mul3A_175 : i32
      %add3A_177 = arith.addi %mul3A_2, %mul3A_176 : i32
      %dma_start3A_178 = arith.constant 0 : i32
      %dma_start3A_179 = tpu.memref_slice %arg4[%add3A_177, %dma_start3A_178] : memref<16384x2048xf32, #tpu.memory_space<hbm>> -> memref<8x2048xf32, #tpu.memory_space<hbm>>
      %dma_start3A_180 = arith.constant 0 : i32
      %dma_start3A_181 = tpu.memref_slice %arg4[%add3A_177, %dma_start3A_180] : memref<16384x2048xf32, #tpu.memory_space<hbm>> -> memref<8x2048xf32, #tpu.memory_space<hbm>>
      tpu.enqueue_dma source(%arg10 : memref<8x2048xf32, #tpu.memory_space<vmem>>) target(%dma_start3A_181 : memref<8x2048xf32, #tpu.memory_space<hbm>>) target_semaphore(%arg24 : memref<!tpu.dma_semaphore, #tpu.memory_space<semaphore_mem>>)
      %add3A_182 = arith.constant 5 : i32
      %add3A_183 = arith.addi %mul3A_96, %add3A_182 : i32
      %mul3A_184 = arith.constant 8 : i32
      %mul3A_185 = arith.muli %add3A_183, %mul3A_184 : i32
      %dma_wait3A_186 = tpu.memref_slice %arg5[%mul3A_185] : memref<512xi32, #tpu.memory_space<vmem>> -> memref<8xi32, #tpu.memory_space<vmem>>
      %dma_wait3A_187 = arith.constant 0 : i32
      %dma_wait3A_188 = arith.constant 0 : i32
      %dma_wait3A_189 = tpu.memref_slice %arg3[%dma_wait3A_187, %dma_wait3A_188] : memref<100000x2048xf32, #tpu.memory_space<hbm>> -> memref<100000x2048xf32, #tpu.memory_space<hbm>>
      tpu.wait_indirect_dma semaphore(%arg18 : memref<!tpu.dma_semaphore, #tpu.memory_space<semaphore_mem>>) src(%dma_wait3A_189 : memref<100000x2048xf32, #tpu.memory_space<hbm>>) dst(%arg11 : memref<8x2048xf32, #tpu.memory_space<vmem>>)
      %add3A_190 = arith.constant 5 : i32
      %add3A_191 = arith.addi %mul3A_96, %add3A_190 : i32
      %mul3A_192 = arith.constant 8 : i32
      %mul3A_193 = arith.muli %add3A_191, %mul3A_192 : i32
      %add3A_194 = arith.addi %mul3A_2, %mul3A_193 : i32
      %dma_start3A_195 = arith.constant 0 : i32
      %dma_start3A_196 = tpu.memref_slice %arg4[%add3A_194, %dma_start3A_195] : memref<16384x2048xf32, #tpu.memory_space<hbm>> -> memref<8x2048xf32, #tpu.memory_space<hbm>>
      %dma_start3A_197 = arith.constant 0 : i32
      %dma_start3A_198 = tpu.memref_slice %arg4[%add3A_194, %dma_start3A_197] : memref<16384x2048xf32, #tpu.memory_space<hbm>> -> memref<8x2048xf32, #tpu.memory_space<hbm>>
      tpu.enqueue_dma source(%arg11 : memref<8x2048xf32, #tpu.memory_space<vmem>>) target(%dma_start3A_198 : memref<8x2048xf32, #tpu.memory_space<hbm>>) target_semaphore(%arg25 : memref<!tpu.dma_semaphore, #tpu.memory_space<semaphore_mem>>)
      %add3A_199 = arith.constant 6 : i32
      %add3A_200 = arith.addi %mul3A_96, %add3A_199 : i32
      %mul3A_201 = arith.constant 8 : i32
      %mul3A_202 = arith.muli %add3A_200, %mul3A_201 : i32
      %dma_wait3A_203 = tpu.memref_slice %arg5[%mul3A_202] : memref<512xi32, #tpu.memory_space<vmem>> -> memref<8xi32, #tpu.memory_space<vmem>>
      %dma_wait3A_204 = arith.constant 0 : i32
      %dma_wait3A_205 = arith.constant 0 : i32
      %dma_wait3A_206 = tpu.memref_slice %arg3[%dma_wait3A_204, %dma_wait3A_205] : memref<100000x2048xf32, #tpu.memory_space<hbm>> -> memref<100000x2048xf32, #tpu.memory_space<hbm>>
      tpu.wait_indirect_dma semaphore(%arg19 : memref<!tpu.dma_semaphore, #tpu.memory_space<semaphore_mem>>) src(%dma_wait3A_206 : memref<100000x2048xf32, #tpu.memory_space<hbm>>) dst(%arg12 : memref<8x2048xf32, #tpu.memory_space<vmem>>)
      %add3A_207 = arith.constant 6 : i32
      %add3A_208 = arith.addi %mul3A_96, %add3A_207 : i32
      %mul3A_209 = arith.constant 8 : i32
      %mul3A_210 = arith.muli %add3A_208, %mul3A_209 : i32
      %add3A_211 = arith.addi %mul3A_2, %mul3A_210 : i32
      %dma_start3A_212 = arith.constant 0 : i32
      %dma_start3A_213 = tpu.memref_slice %arg4[%add3A_211, %dma_start3A_212] : memref<16384x2048xf32, #tpu.memory_space<hbm>> -> memref<8x2048xf32, #tpu.memory_space<hbm>>
      %dma_start3A_214 = arith.constant 0 : i32
      %dma_start3A_215 = tpu.memref_slice %arg4[%add3A_211, %dma_start3A_214] : memref<16384x2048xf32, #tpu.memory_space<hbm>> -> memref<8x2048xf32, #tpu.memory_space<hbm>>
      tpu.enqueue_dma source(%arg12 : memref<8x2048xf32, #tpu.memory_space<vmem>>) target(%dma_start3A_215 : memref<8x2048xf32, #tpu.memory_space<hbm>>) target_semaphore(%arg26 : memref<!tpu.dma_semaphore, #tpu.memory_space<semaphore_mem>>)
      %add3A_216 = arith.constant 0 : i32
      %add3A_217 = arith.addi %mul3A_96, %add3A_216 : i32
      %add3A_218 = arith.constant 7 : i32
      %add3A_219 = arith.addi %add3A_217, %add3A_218 : i32
      %lt3A = arith.constant 64 : i32
      %lt3A_220 = arith.cmpi slt, %add3A_219, %lt3A : i32
      %convert_element_type3A = arith.extui %lt3A_220 : i1 to i32
      %cond3A = arith.constant 0 : i32
      %cond3A_221 = arith.cmpi ne, %convert_element_type3A, %cond3A : i32
      scf.if %cond3A_221 {
        %mul3A_276 = arith.constant 8 : i32
        %mul3A_277 = arith.muli %add3A_217, %mul3A_276 : i32
        %add3A_278 = arith.addi %mul3A_2, %mul3A_277 : i32
        %dma_wait3A_279 = arith.constant 0 : i32
        %dma_wait3A_280 = tpu.memref_slice %arg4[%add3A_278, %dma_wait3A_279] : memref<16384x2048xf32, #tpu.memory_space<hbm>> -> memref<8x2048xf32, #tpu.memory_space<hbm>>
        %dma_wait3A_281 = arith.constant 0 : i32
        %dma_wait3A_282 = tpu.memref_slice %arg4[%add3A_278, %dma_wait3A_281] : memref<16384x2048xf32, #tpu.memory_space<hbm>> -> memref<8x2048xf32, #tpu.memory_space<hbm>>
        tpu.wait_dma2 semaphore(%arg20 : memref<!tpu.dma_semaphore, #tpu.memory_space<semaphore_mem>>) src(%arg6 : memref<8x2048xf32, #tpu.memory_space<vmem>>) dst(%dma_wait3A_282 : memref<8x2048xf32, #tpu.memory_space<hbm>>)
        %add3A_283 = arith.constant 7 : i32
        %add3A_284 = arith.addi %add3A_217, %add3A_283 : i32
        %mul3A_285 = arith.constant 8 : i32
        %mul3A_286 = arith.muli %add3A_284, %mul3A_285 : i32
        %dma_start3A_287 = tpu.memref_slice %arg5[%mul3A_286] : memref<512xi32, #tpu.memory_space<vmem>> -> memref<8xi32, #tpu.memory_space<vmem>>
        %dma_start3A_288 = arith.constant 0 : i32
        %dma_start3A_289 = arith.constant 0 : i32
        %dma_start3A_290 = tpu.memref_slice %arg3[%dma_start3A_288, %dma_start3A_289] : memref<100000x2048xf32, #tpu.memory_space<hbm>> -> memref<100000x2048xf32, #tpu.memory_space<hbm>>
        tpu.enqueue_indirect_dma source(%dma_start3A_290 : memref<100000x2048xf32, #tpu.memory_space<hbm>>) target(%arg6 : memref<8x2048xf32, #tpu.memory_space<vmem>>) offsets(%dma_start3A_287 : memref<8xi32, #tpu.memory_space<vmem>>) semaphore(%arg13 : memref<!tpu.dma_semaphore, #tpu.memory_space<semaphore_mem>>)
      } else {
      }
      %add3A_222 = arith.constant 1 : i32
      %add3A_223 = arith.addi %mul3A_96, %add3A_222 : i32
      %add3A_224 = arith.constant 7 : i32
      %add3A_225 = arith.addi %add3A_223, %add3A_224 : i32
      %lt3A_226 = arith.constant 64 : i32
      %lt3A_227 = arith.cmpi slt, %add3A_225, %lt3A_226 : i32
      %convert_element_type3A_228 = arith.extui %lt3A_227 : i1 to i32
      %cond3A_229 = arith.constant 0 : i32
      %cond3A_230 = arith.cmpi ne, %convert_element_type3A_228, %cond3A_229 : i32
      scf.if %cond3A_230 {
        %mul3A_276 = arith.constant 8 : i32
        %mul3A_277 = arith.muli %add3A_223, %mul3A_276 : i32
        %add3A_278 = arith.addi %mul3A_2, %mul3A_277 : i32
        %dma_wait3A_279 = arith.constant 0 : i32
        %dma_wait3A_280 = tpu.memref_slice %arg4[%add3A_278, %dma_wait3A_279] : memref<16384x2048xf32, #tpu.memory_space<hbm>> -> memref<8x2048xf32, #tpu.memory_space<hbm>>
        %dma_wait3A_281 = arith.constant 0 : i32
        %dma_wait3A_282 = tpu.memref_slice %arg4[%add3A_278, %dma_wait3A_281] : memref<16384x2048xf32, #tpu.memory_space<hbm>> -> memref<8x2048xf32, #tpu.memory_space<hbm>>
        tpu.wait_dma2 semaphore(%arg21 : memref<!tpu.dma_semaphore, #tpu.memory_space<semaphore_mem>>) src(%arg7 : memref<8x2048xf32, #tpu.memory_space<vmem>>) dst(%dma_wait3A_282 : memref<8x2048xf32, #tpu.memory_space<hbm>>)
        %add3A_283 = arith.constant 7 : i32
        %add3A_284 = arith.addi %add3A_223, %add3A_283 : i32
        %mul3A_285 = arith.constant 8 : i32
        %mul3A_286 = arith.muli %add3A_284, %mul3A_285 : i32
        %dma_start3A_287 = tpu.memref_slice %arg5[%mul3A_286] : memref<512xi32, #tpu.memory_space<vmem>> -> memref<8xi32, #tpu.memory_space<vmem>>
        %dma_start3A_288 = arith.constant 0 : i32
        %dma_start3A_289 = arith.constant 0 : i32
        %dma_start3A_290 = tpu.memref_slice %arg3[%dma_start3A_288, %dma_start3A_289] : memref<100000x2048xf32, #tpu.memory_space<hbm>> -> memref<100000x2048xf32, #tpu.memory_space<hbm>>
        tpu.enqueue_indirect_dma source(%dma_start3A_290 : memref<100000x2048xf32, #tpu.memory_space<hbm>>) target(%arg7 : memref<8x2048xf32, #tpu.memory_space<vmem>>) offsets(%dma_start3A_287 : memref<8xi32, #tpu.memory_space<vmem>>) semaphore(%arg14 : memref<!tpu.dma_semaphore, #tpu.memory_space<semaphore_mem>>)
      } else {
      }
      %add3A_231 = arith.constant 2 : i32
      %add3A_232 = arith.addi %mul3A_96, %add3A_231 : i32
      %add3A_233 = arith.constant 7 : i32
      %add3A_234 = arith.addi %add3A_232, %add3A_233 : i32
      %lt3A_235 = arith.constant 64 : i32
      %lt3A_236 = arith.cmpi slt, %add3A_234, %lt3A_235 : i32
      %convert_element_type3A_237 = arith.extui %lt3A_236 : i1 to i32
      %cond3A_238 = arith.constant 0 : i32
      %cond3A_239 = arith.cmpi ne, %convert_element_type3A_237, %cond3A_238 : i32
      scf.if %cond3A_239 {
        %mul3A_276 = arith.constant 8 : i32
        %mul3A_277 = arith.muli %add3A_232, %mul3A_276 : i32
        %add3A_278 = arith.addi %mul3A_2, %mul3A_277 : i32
        %dma_wait3A_279 = arith.constant 0 : i32
        %dma_wait3A_280 = tpu.memref_slice %arg4[%add3A_278, %dma_wait3A_279] : memref<16384x2048xf32, #tpu.memory_space<hbm>> -> memref<8x2048xf32, #tpu.memory_space<hbm>>
        %dma_wait3A_281 = arith.constant 0 : i32
        %dma_wait3A_282 = tpu.memref_slice %arg4[%add3A_278, %dma_wait3A_281] : memref<16384x2048xf32, #tpu.memory_space<hbm>> -> memref<8x2048xf32, #tpu.memory_space<hbm>>
        tpu.wait_dma2 semaphore(%arg22 : memref<!tpu.dma_semaphore, #tpu.memory_space<semaphore_mem>>) src(%arg8 : memref<8x2048xf32, #tpu.memory_space<vmem>>) dst(%dma_wait3A_282 : memref<8x2048xf32, #tpu.memory_space<hbm>>)
        %add3A_283 = arith.constant 7 : i32
        %add3A_284 = arith.addi %add3A_232, %add3A_283 : i32
        %mul3A_285 = arith.constant 8 : i32
        %mul3A_286 = arith.muli %add3A_284, %mul3A_285 : i32
        %dma_start3A_287 = tpu.memref_slice %arg5[%mul3A_286] : memref<512xi32, #tpu.memory_space<vmem>> -> memref<8xi32, #tpu.memory_space<vmem>>
        %dma_start3A_288 = arith.constant 0 : i32
        %dma_start3A_289 = arith.constant 0 : i32
        %dma_start3A_290 = tpu.memref_slice %arg3[%dma_start3A_288, %dma_start3A_289] : memref<100000x2048xf32, #tpu.memory_space<hbm>> -> memref<100000x2048xf32, #tpu.memory_space<hbm>>
        tpu.enqueue_indirect_dma source(%dma_start3A_290 : memref<100000x2048xf32, #tpu.memory_space<hbm>>) target(%arg8 : memref<8x2048xf32, #tpu.memory_space<vmem>>) offsets(%dma_start3A_287 : memref<8xi32, #tpu.memory_space<vmem>>) semaphore(%arg15 : memref<!tpu.dma_semaphore, #tpu.memory_space<semaphore_mem>>)
      } else {
      }
      %add3A_240 = arith.constant 3 : i32
      %add3A_241 = arith.addi %mul3A_96, %add3A_240 : i32
      %add3A_242 = arith.constant 7 : i32
      %add3A_243 = arith.addi %add3A_241, %add3A_242 : i32
      %lt3A_244 = arith.constant 64 : i32
      %lt3A_245 = arith.cmpi slt, %add3A_243, %lt3A_244 : i32
      %convert_element_type3A_246 = arith.extui %lt3A_245 : i1 to i32
      %cond3A_247 = arith.constant 0 : i32
      %cond3A_248 = arith.cmpi ne, %convert_element_type3A_246, %cond3A_247 : i32
      scf.if %cond3A_248 {
        %mul3A_276 = arith.constant 8 : i32
        %mul3A_277 = arith.muli %add3A_241, %mul3A_276 : i32
        %add3A_278 = arith.addi %mul3A_2, %mul3A_277 : i32
        %dma_wait3A_279 = arith.constant 0 : i32
        %dma_wait3A_280 = tpu.memref_slice %arg4[%add3A_278, %dma_wait3A_279] : memref<16384x2048xf32, #tpu.memory_space<hbm>> -> memref<8x2048xf32, #tpu.memory_space<hbm>>
        %dma_wait3A_281 = arith.constant 0 : i32
        %dma_wait3A_282 = tpu.memref_slice %arg4[%add3A_278, %dma_wait3A_281] : memref<16384x2048xf32, #tpu.memory_space<hbm>> -> memref<8x2048xf32, #tpu.memory_space<hbm>>
        tpu.wait_dma2 semaphore(%arg23 : memref<!tpu.dma_semaphore, #tpu.memory_space<semaphore_mem>>) src(%arg9 : memref<8x2048xf32, #tpu.memory_space<vmem>>) dst(%dma_wait3A_282 : memref<8x2048xf32, #tpu.memory_space<hbm>>)
        %add3A_283 = arith.constant 7 : i32
        %add3A_284 = arith.addi %add3A_241, %add3A_283 : i32
        %mul3A_285 = arith.constant 8 : i32
        %mul3A_286 = arith.muli %add3A_284, %mul3A_285 : i32
        %dma_start3A_287 = tpu.memref_slice %arg5[%mul3A_286] : memref<512xi32, #tpu.memory_space<vmem>> -> memref<8xi32, #tpu.memory_space<vmem>>
        %dma_start3A_288 = arith.constant 0 : i32
        %dma_start3A_289 = arith.constant 0 : i32
        %dma_start3A_290 = tpu.memref_slice %arg3[%dma_start3A_288, %dma_start3A_289] : memref<100000x2048xf32, #tpu.memory_space<hbm>> -> memref<100000x2048xf32, #tpu.memory_space<hbm>>
        tpu.enqueue_indirect_dma source(%dma_start3A_290 : memref<100000x2048xf32, #tpu.memory_space<hbm>>) target(%arg9 : memref<8x2048xf32, #tpu.memory_space<vmem>>) offsets(%dma_start3A_287 : memref<8xi32, #tpu.memory_space<vmem>>) semaphore(%arg16 : memref<!tpu.dma_semaphore, #tpu.memory_space<semaphore_mem>>)
      } else {
      }
      %add3A_249 = arith.constant 4 : i32
      %add3A_250 = arith.addi %mul3A_96, %add3A_249 : i32
      %add3A_251 = arith.constant 7 : i32
      %add3A_252 = arith.addi %add3A_250, %add3A_251 : i32
      %lt3A_253 = arith.constant 64 : i32
      %lt3A_254 = arith.cmpi slt, %add3A_252, %lt3A_253 : i32
      %convert_element_type3A_255 = arith.extui %lt3A_254 : i1 to i32
      %cond3A_256 = arith.constant 0 : i32
      %cond3A_257 = arith.cmpi ne, %convert_element_type3A_255, %cond3A_256 : i32
      scf.if %cond3A_257 {
        %mul3A_276 = arith.constant 8 : i32
        %mul3A_277 = arith.muli %add3A_250, %mul3A_276 : i32
        %add3A_278 = arith.addi %mul3A_2, %mul3A_277 : i32
        %dma_wait3A_279 = arith.constant 0 : i32
        %dma_wait3A_280 = tpu.memref_slice %arg4[%add3A_278, %dma_wait3A_279] : memref<16384x2048xf32, #tpu.memory_space<hbm>> -> memref<8x2048xf32, #tpu.memory_space<hbm>>
        %dma_wait3A_281 = arith.constant 0 : i32
        %dma_wait3A_282 = tpu.memref_slice %arg4[%add3A_278, %dma_wait3A_281] : memref<16384x2048xf32, #tpu.memory_space<hbm>> -> memref<8x2048xf32, #tpu.memory_space<hbm>>
        tpu.wait_dma2 semaphore(%arg24 : memref<!tpu.dma_semaphore, #tpu.memory_space<semaphore_mem>>) src(%arg10 : memref<8x2048xf32, #tpu.memory_space<vmem>>) dst(%dma_wait3A_282 : memref<8x2048xf32, #tpu.memory_space<hbm>>)
        %add3A_283 = arith.constant 7 : i32
        %add3A_284 = arith.addi %add3A_250, %add3A_283 : i32
        %mul3A_285 = arith.constant 8 : i32
        %mul3A_286 = arith.muli %add3A_284, %mul3A_285 : i32
        %dma_start3A_287 = tpu.memref_slice %arg5[%mul3A_286] : memref<512xi32, #tpu.memory_space<vmem>> -> memref<8xi32, #tpu.memory_space<vmem>>
        %dma_start3A_288 = arith.constant 0 : i32
        %dma_start3A_289 = arith.constant 0 : i32
        %dma_start3A_290 = tpu.memref_slice %arg3[%dma_start3A_288, %dma_start3A_289] : memref<100000x2048xf32, #tpu.memory_space<hbm>> -> memref<100000x2048xf32, #tpu.memory_space<hbm>>
        tpu.enqueue_indirect_dma source(%dma_start3A_290 : memref<100000x2048xf32, #tpu.memory_space<hbm>>) target(%arg10 : memref<8x2048xf32, #tpu.memory_space<vmem>>) offsets(%dma_start3A_287 : memref<8xi32, #tpu.memory_space<vmem>>) semaphore(%arg17 : memref<!tpu.dma_semaphore, #tpu.memory_space<semaphore_mem>>)
      } else {
      }
      %add3A_258 = arith.constant 5 : i32
      %add3A_259 = arith.addi %mul3A_96, %add3A_258 : i32
      %add3A_260 = arith.constant 7 : i32
      %add3A_261 = arith.addi %add3A_259, %add3A_260 : i32
      %lt3A_262 = arith.constant 64 : i32
      %lt3A_263 = arith.cmpi slt, %add3A_261, %lt3A_262 : i32
      %convert_element_type3A_264 = arith.extui %lt3A_263 : i1 to i32
      %cond3A_265 = arith.constant 0 : i32
      %cond3A_266 = arith.cmpi ne, %convert_element_type3A_264, %cond3A_265 : i32
      scf.if %cond3A_266 {
        %mul3A_276 = arith.constant 8 : i32
        %mul3A_277 = arith.muli %add3A_259, %mul3A_276 : i32
        %add3A_278 = arith.addi %mul3A_2, %mul3A_277 : i32
        %dma_wait3A_279 = arith.constant 0 : i32
        %dma_wait3A_280 = tpu.memref_slice %arg4[%add3A_278, %dma_wait3A_279] : memref<16384x2048xf32, #tpu.memory_space<hbm>> -> memref<8x2048xf32, #tpu.memory_space<hbm>>
        %dma_wait3A_281 = arith.constant 0 : i32
        %dma_wait3A_282 = tpu.memref_slice %arg4[%add3A_278, %dma_wait3A_281] : memref<16384x2048xf32, #tpu.memory_space<hbm>> -> memref<8x2048xf32, #tpu.memory_space<hbm>>
        tpu.wait_dma2 semaphore(%arg25 : memref<!tpu.dma_semaphore, #tpu.memory_space<semaphore_mem>>) src(%arg11 : memref<8x2048xf32, #tpu.memory_space<vmem>>) dst(%dma_wait3A_282 : memref<8x2048xf32, #tpu.memory_space<hbm>>)
        %add3A_283 = arith.constant 7 : i32
        %add3A_284 = arith.addi %add3A_259, %add3A_283 : i32
        %mul3A_285 = arith.constant 8 : i32
        %mul3A_286 = arith.muli %add3A_284, %mul3A_285 : i32
        %dma_start3A_287 = tpu.memref_slice %arg5[%mul3A_286] : memref<512xi32, #tpu.memory_space<vmem>> -> memref<8xi32, #tpu.memory_space<vmem>>
        %dma_start3A_288 = arith.constant 0 : i32
        %dma_start3A_289 = arith.constant 0 : i32
        %dma_start3A_290 = tpu.memref_slice %arg3[%dma_start3A_288, %dma_start3A_289] : memref<100000x2048xf32, #tpu.memory_space<hbm>> -> memref<100000x2048xf32, #tpu.memory_space<hbm>>
        tpu.enqueue_indirect_dma source(%dma_start3A_290 : memref<100000x2048xf32, #tpu.memory_space<hbm>>) target(%arg11 : memref<8x2048xf32, #tpu.memory_space<vmem>>) offsets(%dma_start3A_287 : memref<8xi32, #tpu.memory_space<vmem>>) semaphore(%arg18 : memref<!tpu.dma_semaphore, #tpu.memory_space<semaphore_mem>>)
      } else {
      }
      %add3A_267 = arith.constant 6 : i32
      %add3A_268 = arith.addi %mul3A_96, %add3A_267 : i32
      %add3A_269 = arith.constant 7 : i32
      %add3A_270 = arith.addi %add3A_268, %add3A_269 : i32
      %lt3A_271 = arith.constant 64 : i32
      %lt3A_272 = arith.cmpi slt, %add3A_270, %lt3A_271 : i32
      %convert_element_type3A_273 = arith.extui %lt3A_272 : i1 to i32
      %cond3A_274 = arith.constant 0 : i32
      %cond3A_275 = arith.cmpi ne, %convert_element_type3A_273, %cond3A_274 : i32
      scf.if %cond3A_275 {
        %mul3A_276 = arith.constant 8 : i32
        %mul3A_277 = arith.muli %add3A_268, %mul3A_276 : i32
        %add3A_278 = arith.addi %mul3A_2, %mul3A_277 : i32
        %dma_wait3A_279 = arith.constant 0 : i32
        %dma_wait3A_280 = tpu.memref_slice %arg4[%add3A_278, %dma_wait3A_279] : memref<16384x2048xf32, #tpu.memory_space<hbm>> -> memref<8x2048xf32, #tpu.memory_space<hbm>>
        %dma_wait3A_281 = arith.constant 0 : i32
        %dma_wait3A_282 = tpu.memref_slice %arg4[%add3A_278, %dma_wait3A_281] : memref<16384x2048xf32, #tpu.memory_space<hbm>> -> memref<8x2048xf32, #tpu.memory_space<hbm>>
        tpu.wait_dma2 semaphore(%arg26 : memref<!tpu.dma_semaphore, #tpu.memory_space<semaphore_mem>>) src(%arg12 : memref<8x2048xf32, #tpu.memory_space<vmem>>) dst(%dma_wait3A_282 : memref<8x2048xf32, #tpu.memory_space<hbm>>)
        %add3A_283 = arith.constant 7 : i32
        %add3A_284 = arith.addi %add3A_268, %add3A_283 : i32
        %mul3A_285 = arith.constant 8 : i32
        %mul3A_286 = arith.muli %add3A_284, %mul3A_285 : i32
        %dma_start3A_287 = tpu.memref_slice %arg5[%mul3A_286] : memref<512xi32, #tpu.memory_space<vmem>> -> memref<8xi32, #tpu.memory_space<vmem>>
        %dma_start3A_288 = arith.constant 0 : i32
        %dma_start3A_289 = arith.constant 0 : i32
        %dma_start3A_290 = tpu.memref_slice %arg3[%dma_start3A_288, %dma_start3A_289] : memref<100000x2048xf32, #tpu.memory_space<hbm>> -> memref<100000x2048xf32, #tpu.memory_space<hbm>>
        tpu.enqueue_indirect_dma source(%dma_start3A_290 : memref<100000x2048xf32, #tpu.memory_space<hbm>>) target(%arg12 : memref<8x2048xf32, #tpu.memory_space<vmem>>) offsets(%dma_start3A_287 : memref<8xi32, #tpu.memory_space<vmem>>) semaphore(%arg19 : memref<!tpu.dma_semaphore, #tpu.memory_space<semaphore_mem>>)
      } else {
      }
    }
    %scan3A_41 = arith.constant 9 : i32
    %dma_wait3A = arith.constant 504 : i32
    %dma_wait3A_42 = tpu.memref_slice %arg5[%dma_wait3A] : memref<512xi32, #tpu.memory_space<vmem>> -> memref<8xi32, #tpu.memory_space<vmem>>
    %dma_wait3A_43 = arith.constant 0 : i32
    %dma_wait3A_44 = arith.constant 0 : i32
    %dma_wait3A_45 = tpu.memref_slice %arg3[%dma_wait3A_43, %dma_wait3A_44] : memref<100000x2048xf32, #tpu.memory_space<hbm>> -> memref<100000x2048xf32, #tpu.memory_space<hbm>>
    tpu.wait_indirect_dma semaphore(%arg13 : memref<!tpu.dma_semaphore, #tpu.memory_space<semaphore_mem>>) src(%dma_wait3A_45 : memref<100000x2048xf32, #tpu.memory_space<hbm>>) dst(%arg6 : memref<8x2048xf32, #tpu.memory_space<vmem>>)
    %add3A_46 = arith.constant 504 : i32
    %add3A_47 = arith.addi %mul3A_2, %add3A_46 : i32
    %dma_start3A_48 = arith.constant 0 : i32
    %dma_start3A_49 = tpu.memref_slice %arg4[%add3A_47, %dma_start3A_48] : memref<16384x2048xf32, #tpu.memory_space<hbm>> -> memref<8x2048xf32, #tpu.memory_space<hbm>>
    %dma_start3A_50 = arith.constant 0 : i32
    %dma_start3A_51 = tpu.memref_slice %arg4[%add3A_47, %dma_start3A_50] : memref<16384x2048xf32, #tpu.memory_space<hbm>> -> memref<8x2048xf32, #tpu.memory_space<hbm>>
    tpu.enqueue_dma source(%arg6 : memref<8x2048xf32, #tpu.memory_space<vmem>>) target(%dma_start3A_51 : memref<8x2048xf32, #tpu.memory_space<hbm>>) target_semaphore(%arg20 : memref<!tpu.dma_semaphore, #tpu.memory_space<semaphore_mem>>)
    %add3A_52 = arith.constant 456 : i32
    %add3A_53 = arith.addi %mul3A_2, %add3A_52 : i32
    %dma_wait3A_54 = arith.constant 0 : i32
    %dma_wait3A_55 = tpu.memref_slice %arg4[%add3A_53, %dma_wait3A_54] : memref<16384x2048xf32, #tpu.memory_space<hbm>> -> memref<8x2048xf32, #tpu.memory_space<hbm>>
    %dma_wait3A_56 = arith.constant 0 : i32
    %dma_wait3A_57 = tpu.memref_slice %arg4[%add3A_53, %dma_wait3A_56] : memref<16384x2048xf32, #tpu.memory_space<hbm>> -> memref<8x2048xf32, #tpu.memory_space<hbm>>
    tpu.wait_dma2 semaphore(%arg21 : memref<!tpu.dma_semaphore, #tpu.memory_space<semaphore_mem>>) src(%arg7 : memref<8x2048xf32, #tpu.memory_space<vmem>>) dst(%dma_wait3A_57 : memref<8x2048xf32, #tpu.memory_space<hbm>>)
    %add3A_58 = arith.constant 464 : i32
    %add3A_59 = arith.addi %mul3A_2, %add3A_58 : i32
    %dma_wait3A_60 = arith.constant 0 : i32
    %dma_wait3A_61 = tpu.memref_slice %arg4[%add3A_59, %dma_wait3A_60] : memref<16384x2048xf32, #tpu.memory_space<hbm>> -> memref<8x2048xf32, #tpu.memory_space<hbm>>
    %dma_wait3A_62 = arith.constant 0 : i32
    %dma_wait3A_63 = tpu.memref_slice %arg4[%add3A_59, %dma_wait3A_62] : memref<16384x2048xf32, #tpu.memory_space<hbm>> -> memref<8x2048xf32, #tpu.memory_space<hbm>>
    tpu.wait_dma2 semaphore(%arg22 : memref<!tpu.dma_semaphore, #tpu.memory_space<semaphore_mem>>) src(%arg8 : memref<8x2048xf32, #tpu.memory_space<vmem>>) dst(%dma_wait3A_63 : memref<8x2048xf32, #tpu.memory_space<hbm>>)
    %add3A_64 = arith.constant 472 : i32
    %add3A_65 = arith.addi %mul3A_2, %add3A_64 : i32
    %dma_wait3A_66 = arith.constant 0 : i32
    %dma_wait3A_67 = tpu.memref_slice %arg4[%add3A_65, %dma_wait3A_66] : memref<16384x2048xf32, #tpu.memory_space<hbm>> -> memref<8x2048xf32, #tpu.memory_space<hbm>>
    %dma_wait3A_68 = arith.constant 0 : i32
    %dma_wait3A_69 = tpu.memref_slice %arg4[%add3A_65, %dma_wait3A_68] : memref<16384x2048xf32, #tpu.memory_space<hbm>> -> memref<8x2048xf32, #tpu.memory_space<hbm>>
    tpu.wait_dma2 semaphore(%arg23 : memref<!tpu.dma_semaphore, #tpu.memory_space<semaphore_mem>>) src(%arg9 : memref<8x2048xf32, #tpu.memory_space<vmem>>) dst(%dma_wait3A_69 : memref<8x2048xf32, #tpu.memory_space<hbm>>)
    %add3A_70 = arith.constant 480 : i32
    %add3A_71 = arith.addi %mul3A_2, %add3A_70 : i32
    %dma_wait3A_72 = arith.constant 0 : i32
    %dma_wait3A_73 = tpu.memref_slice %arg4[%add3A_71, %dma_wait3A_72] : memref<16384x2048xf32, #tpu.memory_space<hbm>> -> memref<8x2048xf32, #tpu.memory_space<hbm>>
    %dma_wait3A_74 = arith.constant 0 : i32
    %dma_wait3A_75 = tpu.memref_slice %arg4[%add3A_71, %dma_wait3A_74] : memref<16384x2048xf32, #tpu.memory_space<hbm>> -> memref<8x2048xf32, #tpu.memory_space<hbm>>
    tpu.wait_dma2 semaphore(%arg24 : memref<!tpu.dma_semaphore, #tpu.memory_space<semaphore_mem>>) src(%arg10 : memref<8x2048xf32, #tpu.memory_space<vmem>>) dst(%dma_wait3A_75 : memref<8x2048xf32, #tpu.memory_space<hbm>>)
    %add3A_76 = arith.constant 488 : i32
    %add3A_77 = arith.addi %mul3A_2, %add3A_76 : i32
    %dma_wait3A_78 = arith.constant 0 : i32
    %dma_wait3A_79 = tpu.memref_slice %arg4[%add3A_77, %dma_wait3A_78] : memref<16384x2048xf32, #tpu.memory_space<hbm>> -> memref<8x2048xf32, #tpu.memory_space<hbm>>
    %dma_wait3A_80 = arith.constant 0 : i32
    %dma_wait3A_81 = tpu.memref_slice %arg4[%add3A_77, %dma_wait3A_80] : memref<16384x2048xf32, #tpu.memory_space<hbm>> -> memref<8x2048xf32, #tpu.memory_space<hbm>>
    tpu.wait_dma2 semaphore(%arg25 : memref<!tpu.dma_semaphore, #tpu.memory_space<semaphore_mem>>) src(%arg11 : memref<8x2048xf32, #tpu.memory_space<vmem>>) dst(%dma_wait3A_81 : memref<8x2048xf32, #tpu.memory_space<hbm>>)
    %add3A_82 = arith.constant 496 : i32
    %add3A_83 = arith.addi %mul3A_2, %add3A_82 : i32
    %dma_wait3A_84 = arith.constant 0 : i32
    %dma_wait3A_85 = tpu.memref_slice %arg4[%add3A_83, %dma_wait3A_84] : memref<16384x2048xf32, #tpu.memory_space<hbm>> -> memref<8x2048xf32, #tpu.memory_space<hbm>>
    %dma_wait3A_86 = arith.constant 0 : i32
    %dma_wait3A_87 = tpu.memref_slice %arg4[%add3A_83, %dma_wait3A_86] : memref<16384x2048xf32, #tpu.memory_space<hbm>> -> memref<8x2048xf32, #tpu.memory_space<hbm>>
    tpu.wait_dma2 semaphore(%arg26 : memref<!tpu.dma_semaphore, #tpu.memory_space<semaphore_mem>>) src(%arg12 : memref<8x2048xf32, #tpu.memory_space<vmem>>) dst(%dma_wait3A_87 : memref<8x2048xf32, #tpu.memory_space<hbm>>)
    %add3A_88 = arith.constant 504 : i32
    %add3A_89 = arith.addi %mul3A_2, %add3A_88 : i32
    %dma_wait3A_90 = arith.constant 0 : i32
    %dma_wait3A_91 = tpu.memref_slice %arg4[%add3A_89, %dma_wait3A_90] : memref<16384x2048xf32, #tpu.memory_space<hbm>> -> memref<8x2048xf32, #tpu.memory_space<hbm>>
    %dma_wait3A_92 = arith.constant 0 : i32
    %dma_wait3A_93 = tpu.memref_slice %arg4[%add3A_89, %dma_wait3A_92] : memref<16384x2048xf32, #tpu.memory_space<hbm>> -> memref<8x2048xf32, #tpu.memory_space<hbm>>
    tpu.wait_dma2 semaphore(%arg20 : memref<!tpu.dma_semaphore, #tpu.memory_space<semaphore_mem>>) src(%arg6 : memref<8x2048xf32, #tpu.memory_space<vmem>>) dst(%dma_wait3A_93 : memref<8x2048xf32, #tpu.memory_space<hbm>>)
    return
  }
}

</mosaic_0001>

<sc_bundles>
// kernel: kernel.3.cloned.1.call-start
scs
__scs_entry_jumppad:
0x0: {  	(pc) =	sbr.rel $0x88, $3  }
0x1: {  	(tag) =	ssettag $0x0;
	lr =	simm.s32 $0x1  }
0x2: {  	[smem:$0x3F9F] =	sst lr;
	_ =	strace $0xD0000000  }
0x3: {  	_ = 	snop  }
0x4: {  	_ = 	snop  }
0x5: {  	_ = 	snop  }
0x6: {  	_ = 	snop  }
0x7: {  	_ = 	snop  }
__scs_overlays_trampoline_lowered:
0x8: {  	[smem:$0x3FAE] =	sst s0  }
0x9: {  	[smem:$0x3FAF] =	sst s1  }
0xa: {  	[smem:$0x3FB0] =	sst s2  }
0xb: {  	[smem:$0x3FB1] =	sst s3  }
0xc: {  	[smem:$0x3FB2] =	sst s4  }
0xd: {  	[smem:$0x3FB3] =	sst s5  }
0xe: {  	[smem:$0x3FB4] =	sst s6  }
0xf: {  	[smem:$0x3FB5] =	sst s7  }
0x10: {  	[smem:$0x3FB6] =	sst s8  }
0x11: {  	[smem:$0x3FB7] =	sst s9;
	s0 =	simm.s32 @!p0 $0x0  }
0x12: {  	s1 =	sld [smem:$0x3F9D];
	s0 =	simm.s32 @p0 $0x1  }
0x13: {  	[smem:$0x3FB8] =	sst s0;
	s0 =	simm.s32 @!p1 $0x0  }
0x14: {  	s2 =	sld [smem:$0x3F9C];
	s0 =	simm.s32 @p1 $0x1  }
0x15: {  	[smem:$0x3FB9] =	sst s0;
	s0 =	simm.s32 @!p2 $0x0  }
0x16: {  	s3 =	sld [smem:$0x3FDB];
	s0 =	simm.s32 @p2 $0x1  }
0x17: {  	s4 =	simm.s32 $0x1BF5;
	[smem:$0x3FBB] =	sst s0  }
0x18: {  	s0 =	sld [smem:$0x3F9E];
	_ =	swait.ge [sflag:s4], $0x0  }
0x19: {  	s7 =	sld [smem:$0x3F9F]  }
0x1a: {  	s8 =	sadd.s32 $0xFFFFE003, lr  }
0x1b: {  	s9 =	sadd.s32 $0xFFFFFEF7, lr;
	s5 =	simm.s32 $0xFFFFFFFF;
	p2 =	slt.u32 s8, $0xFFFFF086  }
0x1c: {  	p1 =	slt.u32 s9, $0xF7A;
	s5 =	simm.s32 @!p2 $0x0  }
0x1d: {  	s5 =	simm.s32 @p1 $0x1;
	p0 =	seq.s32 s7, s2  }
0x1e: {  	s7 =	smul.u32 @!p0 $0xF7A, s2;
	p2 =	seq.s32 @!p0 s5, $0x0  }
0x1f: {  	s9 =	smul.u32 $0xF7A, s1;
	s8 =	simm.s32 @!p0 $0x1BF5;
	p2 =	por !p2, p0  }
0x20: {  	[sflag:s8] =	ssyncset.s32 @!p0 $0xFFFFF086;
	s6 =	sadd.s32 @!p0 s3, s7;
	s7 =	simm.s32 @!p0 $0x108  }
0x21: {  	s3 =	sadd.s32 s3, s9;
	s6 =	sadd.s32 @!p0 $0x88, s6;
	s7 =	simm.s32 @p2 $0x1082  }
0x22: {  	[simem:s7], [sflag:s8] =	dma.local @!p0 [hbm:s6], $0xF7A  }
0x23: {  	s9 =	sor.u32 $0xD0000000, s2;
	s6 =	simm.s32 $0x108;
	_ =	swait.ge @!p0 [sflag:s8], $0x0  }
0x24: {  	s3 =	sadd.s32 $0x88, s3;
	s6 =	simm.s32 @!p1 $0x1082;
	[sflag:s4] =	ssyncset.s32 $0xFFFFF086  }
0x25: {  	[simem:s6], [sflag:s4] =	dma.local [hbm:s3], $0xF7A  }
0x26: {  	[smem:$0x3F9F] =	sst s1;
	(tag) =	ssettag s2;
	_ =	strace s9  }
0x27: {  	s1 =	sld [smem:$0x3FAF]  }
0x28: {  	s2 =	sld [smem:$0x3FB0]  }
0x29: {  	s4 =	sld [smem:$0x3FB2]  }
0x2a: {  	p0 =	seq.s32 s5, $0x0;
	s5 =	sld [smem:$0x3FB3]  }
0x2b: {  	s6 =	sld [smem:$0x3FB4]  }
0x2c: {  	s7 =	sld [smem:$0x3FB5]  }
0x2d: {  	s3 =	simm.s32 $0x108;
	s8 =	sld [smem:$0x3FB6]  }
0x2e: {  	s3 =	simm.s32 @!p0 $0x1082;
	s9 =	sld [smem:$0x3FB7]  }
0x2f: {  	lr =	sadd.s32 s0, s3;
	s0 =	sld [smem:$0x3FAE]  }
0x30: {  	s3 =	sld [smem:$0x3FB1]  }
0x31: {  	[smem:$0x3FBA] =	sst s10  }
0x32: {  	s10 =	sld [smem:$0x3FB8];
	_ =	sdelay $0x3  }
0x33: {  	p0 =	seq.s32 s10, $0x1;
	s10 =	sld [smem:$0x3FBA];
	_ =	sdelay $0x3  }
0x34: {  	[smem:$0x3FBA] =	sst s10  }
0x35: {  	s10 =	sld [smem:$0x3FB9];
	_ =	sdelay $0x3  }
0x36: {  	p1 =	seq.s32 s10, $0x1;
	s10 =	sld [smem:$0x3FBA];
	_ =	sdelay $0x3  }
0x37: {  	[smem:$0x3FBA] =	sst s10  }
0x38: {  	s10 =	sld [smem:$0x3FBB]  }
0x39: {  	_ = 	snop;
	(pc) =	sbr.ind lr, $3  }
0x3a: {  	_ = 	snop  }
0x3b: {  	_ = 	snop  }
0x3c: {  	p2 =	seq.s32 s10, $0x1;
	s10 =	sld [smem:$0x3FBA]  }
0x3d: {  	_ =	shalt  }
0x3e: {  	_ =	shalt  }
0x3f: {  	_ =	shalt  }
0x40: {  	_ =	shalt  }
0x41: {  	_ =	shalt  }
0x42: {  	_ =	shalt  }
0x43: {  	_ =	shalt  }
0x44: {  	_ =	shalt  }
0x45: {  	_ =	shalt  }
0x46: {  	_ =	shalt  }
0x47: {  	_ =	shalt  }
0x48: {  	_ =	shalt  }
0x49: {  	_ =	shalt  }
0x4a: {  	_ =	shalt  }
0x4b: {  	_ =	shalt  }
0x4c: {  	_ =	shalt  }
0x4d: {  	_ =	shalt  }
0x4e: {  	_ =	shalt  }
0x4f: {  	_ =	shalt  }
0x50: {  	_ =	shalt  }
0x51: {  	_ =	shalt  }
0x52: {  	_ =	shalt  }
0x53: {  	_ =	shalt  }
0x54: {  	_ =	shalt  }
0x55: {  	_ =	shalt  }
0x56: {  	_ =	shalt  }
0x57: {  	_ =	shalt  }
0x58: {  	_ =	shalt  }
0x59: {  	_ =	shalt  }
0x5a: {  	_ =	shalt  }
0x5b: {  	_ =	shalt  }
0x5c: {  	_ =	shalt  }
0x5d: {  	_ =	shalt  }
0x5e: {  	_ =	shalt  }
0x5f: {  	_ =	shalt  }
0x60: {  	_ =	shalt  }
0x61: {  	_ =	shalt  }
0x62: {  	_ =	shalt  }
0x63: {  	_ =	shalt  }
0x64: {  	_ =	shalt  }
0x65: {  	_ =	shalt  }
0x66: {  	_ =	shalt  }
0x67: {  	_ =	shalt  }
0x68: {  	_ =	shalt  }
0x69: {  	_ =	shalt  }
0x6a: {  	_ =	shalt  }
0x6b: {  	_ =	shalt  }
0x6c: {  	_ =	shalt  }
0x6d: {  	_ =	shalt  }
0x6e: {  	_ =	shalt  }
0x6f: {  	_ =	shalt  }
0x70: {  	_ =	shalt  }
0x71: {  	_ =	shalt  }
0x72: {  	_ =	shalt  }
0x73: {  	_ =	shalt  }
0x74: {  	_ =	shalt  }
0x75: {  	_ =	shalt  }
0x76: {  	_ =	shalt  }
0x77: {  	_ =	shalt  }
0x78: {  	_ =	shalt  }
0x79: {  	_ =	shalt  }
0x7a: {  	_ =	shalt  }
0x7b: {  	_ =	shalt  }
0x7c: {  	_ =	shalt  }
0x7d: {  	_ =	shalt  }
0x7e: {  	_ =	shalt  }
0x7f: {  	_ =	shalt  }
0x80: {  	_ =	shalt  }
0x81: {  	_ =	shalt  }
0x82: {  	_ =	shalt  }
0x83: {  	_ =	shalt  }
0x84: {  	_ =	shalt  }
0x85: {  	_ =	shalt  }
0x86: {  	_ =	shalt  }
0x87: {  	_ =	shalt  }
.Lfunc_end0:
.L_simem_size_0:
called_computation_lowered:
.L_overlay_start_0:
0x88: {  	s2 =	sld [smem:$0x3FD9]  }
0x89: {  	s3 =	sld [smem:$0x3FFE];
	_ =	sdelay $0x1  }
0x8a: {  	s1 =	srdreg.scid  }
0x8b: {  	s0 =	sand.u32 $0x1, s1  }
0x8c: {  	s17 =	sshll.u32 s0, $0xA;
	s2 =	sadd.s32 s3, s2  }
0x8d: {  	s2 =	sadd.s32 s2, s17  }
0x8e: {  	[smem:$0x3FC6] =	sst s2  }
0x8f: {  	_ = 	snop  }
0x90: {  	s2 =	sld [smem:$0x3FC8]  }
0x91: {  	s18 =	sld [smem:$0x3FD0];
	(tm) =	ssettm $0x1  }
0x92: {  	s4 =	sld [smem:$0x3FFB];
	_ =	sdelay $0x3  }
0x93: {  	_ =	strace s4  }
0x94: {  	s4 =	sld [smem:$0x3FFC];
	_ =	sdelay $0x3  }
0x95: {  	_ =	strace s4  }
0x96: {  	s4 =	sld [smem:$0x3FFD];
	_ =	sdelay $0x3  }
0x97: {  	_ =	strace s4  }
0x98: {  	_ =	strace $0x8FFFFFFF  }
0x99: {  	s19 =	sld [smem:$0x3FDB];
	_ =	sdelay $0x1  }
0x9a: {  	s5 =	simm.s32 $_scs_section_size  }
0x9b: {  	s6 =	simm.s32 $_size__tile_overlayer_lowered;
	s7 =	simm.s32 $_tile_overlayer_lowered  }
0x9c: {  	s22 =	simm.s32 $0x1BFF;
	s21 =	sshll.u32 s7, $0x1;
	s4 =	sadd.s32 s5, s19  }
0x9d: {  	s8 =	simm.s32 $0x0;
	s20 =	sshll.u32 s6, $0x1;
	s6 =	sadd.s32 s21, s4  }
0x9e: {  	[timem:s8], [sflag:s22] =	dma.local [hbm:s6], s20  }
0x9f: {  	_ =	swait.ge [sflag:s22], s20  }
0xa0: {  	s5 =	ssub.s32 $0x0, s20;
	[sflag:s22] =	ssyncset.done $0x0  }
0xa1: {  	[sflag:s22] =	ssyncadd.s32 s5;
	_ =	sdelay $0x1  }
0xa2: {  	s23 =	simm.s32 $0x1B8B  }
0xa3: {  	_ =	swait.ge [sflag:s23], $0x1  }
0xa4: {  	[sflag:s23] =	ssyncset.done $0x0  }
0xa5: {  	s25 =	simm.s32 $0x1B8E;
	s24 =	sld [smem:$0x3FFE];
	[sflag:s23] =	ssyncadd.s32 $0xFFFFFFFF  }
0xa6: {  	s26 =	simm.s32 $execute0_lowered;
	[smem:$0x3FD2] =	sst s25  }
0xa7: {  	s6 =	sshll.u32 s26, $0x1;
	_ =	strace $0x80000046;
	[dreg:$0x1] =	wrdreg $0xFFFFFFFF  }
0xa8: {  	s28 =	simm.s32 $_size_execute0_lowered;
	s4 =	sadd.s32 s4, s6;
	[dreg:$0x0] =	wrdreg $0x0  }
0xa9: {  	s6 =	sshll.u32 s28, $0x1;
	[dreg:$0x2] =	wrdreg s4  }
0xaa: {  	[dreg:$0x3] =	wrdreg s6  }
0xab: {  	[dreg:$0x4] =	wrdreg $0xC0  }
0xac: {  	_ =	task [dreg:s8], $0x5FFFF  }
0xad: {  	[dreg:$0x1] =	wrdreg $0xFFFFFFFF  }
0xae: {  	[dreg:$0x0] =	wrdreg $0x60  }
0xaf: {  	[dreg:$0x2] =	wrdreg s24  }
0xb0: {  	[dreg:$0x3] =	wrdreg s2  }
0xb1: {  	[dreg:$0x4] =	wrdreg s18  }
0xb2: {  	[dreg:$0x5] =	wrdreg $0x9  }
0xb3: {  	_ =	task.clear_ibuf [dreg:s8], $0x6FFFF;
	_ =	strace $0x90000046  }
0xb4: {  	s29 =	simm.s32 $0x9;
	_ =	strace $0x80000048  }
0xb5: {  	_ =	swait.ge [sflag:s29], $0x1  }
0xb6: {  	[sflag:s29] =	ssyncadd.s32 $0xFFFFFFFF  }
0xb7: {  	_ =	strace $0x90000048  }
0xb8: {  	_ =	sfence  }
0xb9: {  	s30 =	sld [smem:$0x0];
	_ =	sdelay $0x2  }
0xba: {  	s31 =	sshll.u32 s1, $0xD;
	s1 =	sshrl.u32 s1, $0x2  }
0xbb: {  	s3 =	sand.u32 $0x4000, s31;
	s1 =	sadd.s32 s1, s30  }
0xbc: {  	s0 =	sor.u32 s3, s0;
	s1 =	sshll.u32 s1, $0x11  }
0xbd: {  	s0 =	sor.u32 s1, s0  }
0xbe: {  	s0 =	sadd.s32 $0x8F2B, s0  }
0xbf: {  	[sflag:s0] =	ssyncadd.remote.s32 $0x1  }
0xc0: {  	_ =	sfence.sel $0xFFFF  }
0xc1: {  	[dreg:$0x0] =	wrdreg $0xFFFFFFFF;
	(pc) =	sbr.abs _section_cstart, $3  }
0xc2: {  	[dreg:$0x1] =	wrdreg $0xFFFFFFFF  }
0xc3: {  	_ =	task.clear_ibuf [dreg:s8], $0x2FFFF;
	_ =	strace $0x9FFFFFFF  }
0xc4: {  	(tm) =	ssettm $0x7FFFFFFF  }
0xc5: {  	_ =	shalt  }
tec
execute0_lowered:
.L_overlay_start_1:
0x0: {  	(tag) =	ssettag $0x1  }
0x1: {  	s0 =	rddreg [dreg:$0x0];
	s1 =	srdreg.scid  }
0x2: {  	s2 =	rddreg [dreg:$0x1];
	s14 =	stileid.u32  }
0x3: {  	s4 =	rddreg [dreg:$0x2];
	s16 =	simm.s32 $0x8200;
	s20 =	simm.s32 $0xC200  }
0x4: {  	s17 =	simm.s32 $0x14200;
	s28 =	simm.s32 $0x1;
	s18 =	simm.s32 $0x5  }
0x5: {  	s19 =	simm.s32 $0x7;
	s21 =	simm.s32 $0x8;
	s22 =	simm.s32 $0xA  }
0x6: {  	s15 =	simm.s32 $0xD;
	s30 =	simm.s32 $0x10200;
	s29 =	simm.s32 $0x200  }
0x7: {  	s1 =	sand.u32 $0x1, s1;
	s3 =	sshll.u32 s14, $0xA;
	s7 =	sadd.s32 $0x300, s2  }
0x8: {  	s8 =	sadd.s32 $0x400, s2;
	s9 =	sadd.s32 $0x500, s2;
	s10 =	sadd.s32 $0x600, s2  }
0x9: {  	s11 =	sadd.s32 $0x700, s2;
	s25 =	sshll.u32 s14, $0x12;
	s14 =	simm.s32 $0x200  }
0xa: {  	s5 =	sshll.u32 s1, $0x9;
	s6 =	ssub.s32 $0x2, s1;
	s1 =	sshll.u32 s1, $0x11  }
0xb: {  	s12 =	sor.u32 s5, s3;
	s3 =	simm.s32 $0x0;
	s23 =	sshrl.u32 s6, $0x1  }
0xc: {  	s5 =	sshrl.u32 s12, $0x3;
	[smem:$0x7FF] =	sst s3;
	s13 =	ssub.s32 s6, s23  }
0xd: {  	s6 =	sadd.s32 $0x200, s2;
	s24 =	sshll.u32 s12, $0x8;
	s12 =	simm.s32 $0x9  }
0xe: {  	s23 =	simm.s32 $0xC;
	s0 =	sadd.s32 s5, s0;
	_ =	strace $0x80000047  }
0xf: {  	s5 =	sadd.s32 $0x100, s2;
	s26 =	smax.u32 s13, $0x1;
	s13 =	simm.s32 $0xB  }
.Ltmp0:
0x10: {  	s0 =	sadd.s32 $0x400, s0;
	[dreg:$0x6] =	wrdreg s26;
	(pc) =	sbr.rel .LBB2_1-.Ltmp0, $4  }
0x11: {  	s26 =	simm.s32 $0x0;
	[dreg:$0x4] =	wrdreg s0;
	s0 =	sadd.s32 s24, s4  }
0x12: {  	v0 =	vlaneseq.u32;
	s4 =	sadd.s32 s25, s4;
	s24 =	simm.s32 $0x10200;
	s0 =	sadd.s32 $0x1F800, s0  }
0x13: {  	v1 =	vshrl.u32 v0, $0x3;
	s25 =	simm.s32 $0xE;
	s31 =	sadd.s32 s1, s4;
	[dreg:$0x5] =	wrdreg s0  }
0x14: {  	vm0 =	vmmov $0xffff;
	v0 =	vand.u32 $0x7, v0;
	v1 =	vmul.u32 $0x8, v1;
	s4 =	simm.s32 $0x4200;
	s1 =	simm.s32 $0x6;
	[dreg:$0x7] =	wrdreg s31  }
.LBB2_4:
0x15: {  	_ =	swait.ge [sflag:s28], $0x4000  }
0x16: {  	[sflag:s28] =	ssyncset.done $0x0  }
0x17: {  	s14 =	simm.s32 $0x200;
	s0 =	rddreg [dreg:$0x5];
	[sflag:s28] =	ssyncadd.s32 $0xFFFFC000  }
0x18: {  	[hbm4b:s0+s3] =	stream.linear.scatter [tilespmem:s14], [sflag:$0x8], $0x4000, $0x38;
	[tilespmem:$0x1C200] =	vst v63  }
0x19: {  	_ =	swait.ge [sflag:s12], $0x4000  }
0x1a: {  	[sflag:s12] =	ssyncset.done $0x0  }
0x1b: {  	[sflag:s12] =	ssyncadd.s32 $0xFFFFC000  }
0x1c: {  	_ =	swait.ge [sflag:s22], $0x4000  }
0x1d: {  	[sflag:s22] =	ssyncset.done $0x0  }
0x1e: {  	[sflag:s22] =	ssyncadd.s32 $0xFFFFC000  }
0x1f: {  	_ =	swait.ge [sflag:s13], $0x4000  }
0x20: {  	[sflag:s13] =	ssyncset.done $0x0  }
0x21: {  	[sflag:s13] =	ssyncadd.s32 $0xFFFFC000  }
0x22: {  	_ =	swait.ge [sflag:s23], $0x4000  }
0x23: {  	[sflag:s23] =	ssyncset.done $0x0  }
0x24: {  	[sflag:s23] =	ssyncadd.s32 $0xFFFFC000  }
0x25: {  	_ =	swait.ge [sflag:s15], $0x4000  }
0x26: {  	[sflag:s15] =	ssyncset.done $0x0  }
0x27: {  	[sflag:s15] =	ssyncadd.s32 $0xFFFFC000  }
0x28: {  	_ =	swait.ge [sflag:s25], $0x4000  }
0x29: {  	[sflag:s25] =	ssyncset.done $0x0  }
0x2a: {  	[sflag:s25] =	ssyncadd.s32 $0xFFFFC000  }
0x2b: {  	_ =	swait.ge [sflag:s21], $0x4000  }
0x2c: {  	s26 =	rddreg [dreg:$0x8]  }
0x2d: {  	s31 =	rddreg [dreg:$0x6];
	s26 =	sadd.s32 $0x1, s26  }
0x2e: {  	p0 =	sne.s32 s26, s31  }
.Ltmp1:
0x2f: {  	_ = 	snop;
	(pc) =	sbr.rel @!p0 .LBB2_5-.Ltmp1, $4  }
0x30: {  	_ = 	snop  }
0x31: {  	s4 =	simm.s32 $0x4200  }
0x32: {  	s16 =	simm.s32 $0x8200;
	s20 =	simm.s32 $0xC200;
	[sflag:s21] =	ssyncset.done $0x0  }
0x33: {  	s24 =	simm.s32 $0x10200;
	s17 =	simm.s32 $0x14200;
	[sflag:s21] =	ssyncadd.s32 $0xFFFFC000  }
.LBB2_1:
0x34: {  	[dreg:$0x8] =	wrdreg s26  }
0x35: {  	s0 =	rddreg [dreg:$0x4];
	s26 =	simm.s32 $0xF  }
0x36: {  	[tilespmem:s3], [sflag:$0xF] =	stream.linear.gather [hbm4b:s0+s3], $0x200, $0x38;
	[tilespmem:$0x1C200] =	vst v63  }
0x37: {  	_ =	swait.ge [sflag:s26], $0x200  }
0x38: {  	[sflag:s26] =	ssyncset.done $0x0  }
0x39: {  	[sflag:s26] =	ssyncadd.s32 $0xFFFFFE00  }
0x3a: {  	v2 =	vld.msk [tilespmem:$0x0], $0xff;
	_ =	sdelay $0x4  }
0x3b: {  	v3 =	vshll.u32 v2, $0x4  }
0x3c: {  	v2 =	vand.u32 $0x7, v2;
	v3 =	vand.u32 $0xFFFFFF80, v3  }
0x3d: {  	v2 =	vor.u32 v2, v3  }
0x3e: {  	v2 =	vperm.xlane v2, v0;
	_ =	sdelay $0x1  }
0x3f: {  	v2 =	vadd.s32 v1, v2;
	_ =	sdelay $0x4  }
0x40: {  	[tilespmem:s14], [sflag:$0x1] =	stream.indirect_vreg.gather [hbm4b:s2+s3], $0x80, v2, vm0, $0xb8;
	[tilespmem:$0x1C200] =	vst v63  }
0x41: {  	s26 =	simm.s32 $0xA00  }
0x42: {  	[tilespmem:s26], [sflag:$0x1] =	stream.indirect_vreg.gather [hbm4b:s5+s3], $0x80, v2, vm0, $0xb8;
	[tilespmem:$0x1C200] =	vst v63  }
0x43: {  	s14 =	simm.s32 $0x1200  }
0x44: {  	[tilespmem:s14], [sflag:$0x1] =	stream.indirect_vreg.gather [hbm4b:s6+s3], $0x80, v2, vm0, $0xb8;
	[tilespmem:$0x1C200] =	vst v63  }
0x45: {  	s26 =	simm.s32 $0x1A00  }
0x46: {  	[tilespmem:s26], [sflag:$0x1] =	stream.indirect_vreg.gather [hbm4b:s7+s3], $0x80, v2, vm0, $0xb8;
	[tilespmem:$0x1C200] =	vst v63  }
0x47: {  	s14 =	simm.s32 $0x2200  }
0x48: {  	[tilespmem:s14], [sflag:$0x1] =	stream.indirect_vreg.gather [hbm4b:s8+s3], $0x80, v2, vm0, $0xb8;
	[tilespmem:$0x1C200] =	vst v63  }
0x49: {  	s26 =	simm.s32 $0x2A00  }
0x4a: {  	[tilespmem:s26], [sflag:$0x1] =	stream.indirect_vreg.gather [hbm4b:s9+s3], $0x80, v2, vm0, $0xb8;
	[tilespmem:$0x1C200] =	vst v63  }
0x4b: {  	s14 =	simm.s32 $0x3200  }
0x4c: {  	[tilespmem:s14], [sflag:$0x1] =	stream.indirect_vreg.gather [hbm4b:s10+s3], $0x80, v2, vm0, $0xb8;
	[tilespmem:$0x1C200] =	vst v63  }
0x4d: {  	s26 =	simm.s32 $0x3A00  }
0x4e: {  	[tilespmem:s26], [sflag:$0x1] =	stream.indirect_vreg.gather [hbm4b:s11+s3], $0x80, v2, vm0, $0xb8;
	[tilespmem:$0x1C200] =	vst v63  }
0x4f: {  	v2 =	vld.msk [tilespmem:$0x8], $0xff;
	_ =	sdelay $0x4  }
0x50: {  	v3 =	vshll.u32 v2, $0x4  }
0x51: {  	v2 =	vand.u32 $0x7, v2;
	v3 =	vand.u32 $0xFFFFFF80, v3  }
0x52: {  	v2 =	vor.u32 v2, v3  }
0x53: {  	v2 =	vperm.xlane v2, v0;
	_ =	sdelay $0x1  }
0x54: {  	v2 =	vadd.s32 v1, v2;
	_ =	sdelay $0x4  }
0x55: {  	[tilespmem:s4], [sflag:$0x2] =	stream.indirect_vreg.gather [hbm4b:s2+s3], $0x80, v2, vm0, $0xb8;
	[tilespmem:$0x1C200] =	vst v63  }
0x56: {  	s14 =	simm.s32 $0x4A00  }
0x57: {  	[tilespmem:s14], [sflag:$0x2] =	stream.indirect_vreg.gather [hbm4b:s5+s3], $0x80, v2, vm0, $0xb8;
	[tilespmem:$0x1C200] =	vst v63  }
0x58: {  	s26 =	simm.s32 $0x5200  }
0x59: {  	[tilespmem:s26], [sflag:$0x2] =	stream.indirect_vreg.gather [hbm4b:s6+s3], $0x80, v2, vm0, $0xb8;
	[tilespmem:$0x1C200] =	vst v63  }
0x5a: {  	s4 =	simm.s32 $0x5A00  }
0x5b: {  	[tilespmem:s4], [sflag:$0x2] =	stream.indirect_vreg.gather [hbm4b:s7+s3], $0x80, v2, vm0, $0xb8;
	[tilespmem:$0x1C200] =	vst v63  }
0x5c: {  	s14 =	simm.s32 $0x6200  }
0x5d: {  	[tilespmem:s14], [sflag:$0x2] =	stream.indirect_vreg.gather [hbm4b:s8+s3], $0x80, v2, vm0, $0xb8;
	[tilespmem:$0x1C200] =	vst v63  }
0x5e: {  	s26 =	simm.s32 $0x6A00  }
0x5f: {  	[tilespmem:s26], [sflag:$0x2] =	stream.indirect_vreg.gather [hbm4b:s9+s3], $0x80, v2, vm0, $0xb8;
	[tilespmem:$0x1C200] =	vst v63  }
0x60: {  	s4 =	simm.s32 $0x7200  }
0x61: {  	[tilespmem:s4], [sflag:$0x2] =	stream.indirect_vreg.gather [hbm4b:s10+s3], $0x80, v2, vm0, $0xb8;
	[tilespmem:$0x1C200] =	vst v63  }
0x62: {  	s14 =	simm.s32 $0x7A00  }
0x63: {  	[tilespmem:s14], [sflag:$0x2] =	stream.indirect_vreg.gather [hbm4b:s11+s3], $0x80, v2, vm0, $0xb8;
	[tilespmem:$0x1C200] =	vst v63  }
0x64: {  	v2 =	vld.msk [tilespmem:$0x10], $0xff;
	_ =	sdelay $0x4  }
0x65: {  	v3 =	vshll.u32 v2, $0x4  }
0x66: {  	v2 =	vand.u32 $0x7, v2;
	v3 =	vand.u32 $0xFFFFFF80, v3  }
0x67: {  	v2 =	vor.u32 v2, v3  }
0x68: {  	v2 =	vperm.xlane v2, v0;
	_ =	sdelay $0x1  }
0x69: {  	v2 =	vadd.s32 v1, v2;
	_ =	sdelay $0x4  }
0x6a: {  	[tilespmem:s16], [sflag:$0x3] =	stream.indirect_vreg.gather [hbm4b:s2+s3], $0x80, v2, vm0, $0xb8;
	[tilespmem:$0x1C200] =	vst v63  }
0x6b: {  	s26 =	simm.s32 $0x8A00  }
0x6c: {  	[tilespmem:s26], [sflag:$0x3] =	stream.indirect_vreg.gather [hbm4b:s5+s3], $0x80, v2, vm0, $0xb8;
	[tilespmem:$0x1C200] =	vst v63  }
0x6d: {  	s4 =	simm.s32 $0x9200  }
0x6e: {  	[tilespmem:s4], [sflag:$0x3] =	stream.indirect_vreg.gather [hbm4b:s6+s3], $0x80, v2, vm0, $0xb8;
	[tilespmem:$0x1C200] =	vst v63  }
0x6f: {  	s14 =	simm.s32 $0x9A00  }
0x70: {  	[tilespmem:s14], [sflag:$0x3] =	stream.indirect_vreg.gather [hbm4b:s7+s3], $0x80, v2, vm0, $0xb8;
	[tilespmem:$0x1C200] =	vst v63  }
0x71: {  	s16 =	simm.s32 $0xA200  }
0x72: {  	[tilespmem:s16], [sflag:$0x3] =	stream.indirect_vreg.gather [hbm4b:s8+s3], $0x80, v2, vm0, $0xb8;
	[tilespmem:$0x1C200] =	vst v63  }
0x73: {  	s26 =	simm.s32 $0xAA00  }
0x74: {  	[tilespmem:s26], [sflag:$0x3] =	stream.indirect_vreg.gather [hbm4b:s9+s3], $0x80, v2, vm0, $0xb8;
	[tilespmem:$0x1C200] =	vst v63  }
0x75: {  	s4 =	simm.s32 $0xB200  }
0x76: {  	[tilespmem:s4], [sflag:$0x3] =	stream.indirect_vreg.gather [hbm4b:s10+s3], $0x80, v2, vm0, $0xb8;
	[tilespmem:$0x1C200] =	vst v63  }
0x77: {  	s14 =	simm.s32 $0xBA00  }
0x78: {  	[tilespmem:s14], [sflag:$0x3] =	stream.indirect_vreg.gather [hbm4b:s11+s3], $0x80, v2, vm0, $0xb8;
	[tilespmem:$0x1C200] =	vst v63  }
0x79: {  	v2 =	vld.msk [tilespmem:$0x18], $0xff;
	_ =	sdelay $0x4  }
0x7a: {  	v3 =	vshll.u32 v2, $0x4  }
0x7b: {  	v2 =	vand.u32 $0x7, v2;
	v3 =	vand.u32 $0xFFFFFF80, v3  }
0x7c: {  	v2 =	vor.u32 v2, v3  }
0x7d: {  	v2 =	vperm.xlane v2, v0;
	_ =	sdelay $0x1  }
0x7e: {  	v2 =	vadd.s32 v1, v2;
	_ =	sdelay $0x4  }
0x7f: {  	[tilespmem:s20], [sflag:$0x4] =	stream.indirect_vreg.gather [hbm4b:s2+s3], $0x80, v2, vm0, $0xb8;
	[tilespmem:$0x1C200] =	vst v63  }
0x80: {  	s16 =	simm.s32 $0xCA00  }
0x81: {  	[tilespmem:s16], [sflag:$0x4] =	stream.indirect_vreg.gather [hbm4b:s5+s3], $0x80, v2, vm0, $0xb8;
	[tilespmem:$0x1C200] =	vst v63  }
0x82: {  	s20 =	simm.s32 $0xD200  }
0x83: {  	[tilespmem:s20], [sflag:$0x4] =	stream.indirect_vreg.gather [hbm4b:s6+s3], $0x80, v2, vm0, $0xb8;
	[tilespmem:$0x1C200] =	vst v63  }
0x84: {  	s26 =	simm.s32 $0xDA00  }
0x85: {  	[tilespmem:s26], [sflag:$0x4] =	stream.indirect_vreg.gather [hbm4b:s7+s3], $0x80, v2, vm0, $0xb8;
	[tilespmem:$0x1C200] =	vst v63  }
0x86: {  	s4 =	simm.s32 $0xE200  }
0x87: {  	[tilespmem:s4], [sflag:$0x4] =	stream.indirect_vreg.gather [hbm4b:s8+s3], $0x80, v2, vm0, $0xb8;
	[tilespmem:$0x1C200] =	vst v63  }
0x88: {  	s14 =	simm.s32 $0xEA00  }
0x89: {  	[tilespmem:s14], [sflag:$0x4] =	stream.indirect_vreg.gather [hbm4b:s9+s3], $0x80, v2, vm0, $0xb8;
	[tilespmem:$0x1C200] =	vst v63  }
0x8a: {  	s16 =	simm.s32 $0xF200  }
0x8b: {  	[tilespmem:s16], [sflag:$0x4] =	stream.indirect_vreg.gather [hbm4b:s10+s3], $0x80, v2, vm0, $0xb8;
	[tilespmem:$0x1C200] =	vst v63  }
0x8c: {  	s20 =	simm.s32 $0xFA00  }
0x8d: {  	[tilespmem:s20], [sflag:$0x4] =	stream.indirect_vreg.gather [hbm4b:s11+s3], $0x80, v2, vm0, $0xb8;
	[tilespmem:$0x1C200] =	vst v63  }
0x8e: {  	v2 =	vld.msk [tilespmem:$0x20], $0xff;
	_ =	sdelay $0x4  }
0x8f: {  	v3 =	vshll.u32 v2, $0x4  }
0x90: {  	v2 =	vand.u32 $0x7, v2;
	v3 =	vand.u32 $0xFFFFFF80, v3  }
0x91: {  	v2 =	vor.u32 v2, v3  }
0x92: {  	v2 =	vperm.xlane v2, v0;
	_ =	sdelay $0x1  }
0x93: {  	v2 =	vadd.s32 v1, v2;
	_ =	sdelay $0x4  }
0x94: {  	[tilespmem:s24], [sflag:$0x5] =	stream.indirect_vreg.gather [hbm4b:s2+s3], $0x80, v2, vm0, $0xb8;
	[tilespmem:$0x1C200] =	vst v63  }
0x95: {  	s26 =	simm.s32 $0x10A00  }
0x96: {  	[tilespmem:s26], [sflag:$0x5] =	stream.indirect_vreg.gather [hbm4b:s5+s3], $0x80, v2, vm0, $0xb8;
	[tilespmem:$0x1C200] =	vst v63  }
0x97: {  	s4 =	simm.s32 $0x11200  }
0x98: {  	[tilespmem:s4], [sflag:$0x5] =	stream.indirect_vreg.gather [hbm4b:s6+s3], $0x80, v2, vm0, $0xb8;
	[tilespmem:$0x1C200] =	vst v63  }
0x99: {  	s14 =	simm.s32 $0x11A00  }
0x9a: {  	[tilespmem:s14], [sflag:$0x5] =	stream.indirect_vreg.gather [hbm4b:s7+s3], $0x80, v2, vm0, $0xb8;
	[tilespmem:$0x1C200] =	vst v63  }
0x9b: {  	s16 =	simm.s32 $0x12200  }
0x9c: {  	[tilespmem:s16], [sflag:$0x5] =	stream.indirect_vreg.gather [hbm4b:s8+s3], $0x80, v2, vm0, $0xb8;
	[tilespmem:$0x1C200] =	vst v63  }
0x9d: {  	s20 =	simm.s32 $0x12A00  }
0x9e: {  	[tilespmem:s20], [sflag:$0x5] =	stream.indirect_vreg.gather [hbm4b:s9+s3], $0x80, v2, vm0, $0xb8;
	[tilespmem:$0x1C200] =	vst v63  }
0x9f: {  	s24 =	simm.s32 $0x13200  }
0xa0: {  	[tilespmem:s24], [sflag:$0x5] =	stream.indirect_vreg.gather [hbm4b:s10+s3], $0x80, v2, vm0, $0xb8;
	[tilespmem:$0x1C200] =	vst v63  }
0xa1: {  	s26 =	simm.s32 $0x13A00  }
0xa2: {  	[tilespmem:s26], [sflag:$0x5] =	stream.indirect_vreg.gather [hbm4b:s11+s3], $0x80, v2, vm0, $0xb8;
	[tilespmem:$0x1C200] =	vst v63  }
0xa3: {  	v2 =	vld.msk [tilespmem:$0x28], $0xff;
	_ =	sdelay $0x4  }
0xa4: {  	v3 =	vshll.u32 v2, $0x4  }
0xa5: {  	v2 =	vand.u32 $0x7, v2;
	v3 =	vand.u32 $0xFFFFFF80, v3  }
0xa6: {  	v2 =	vor.u32 v2, v3  }
0xa7: {  	v2 =	vperm.xlane v2, v0;
	_ =	sdelay $0x1  }
0xa8: {  	v2 =	vadd.s32 v1, v2;
	_ =	sdelay $0x4  }
0xa9: {  	[tilespmem:s17], [sflag:$0x6] =	stream.indirect_vreg.gather [hbm4b:s2+s3], $0x80, v2, vm0, $0xb8;
	[tilespmem:$0x1C200] =	vst v63  }
0xaa: {  	s4 =	simm.s32 $0x14A00  }
0xab: {  	[tilespmem:s4], [sflag:$0x6] =	stream.indirect_vreg.gather [hbm4b:s5+s3], $0x80, v2, vm0, $0xb8;
	[tilespmem:$0x1C200] =	vst v63  }
0xac: {  	s14 =	simm.s32 $0x15200  }
0xad: {  	[tilespmem:s14], [sflag:$0x6] =	stream.indirect_vreg.gather [hbm4b:s6+s3], $0x80, v2, vm0, $0xb8;
	[tilespmem:$0x1C200] =	vst v63  }
0xae: {  	s16 =	simm.s32 $0x15A00  }
0xaf: {  	[tilespmem:s16], [sflag:$0x6] =	stream.indirect_vreg.gather [hbm4b:s7+s3], $0x80, v2, vm0, $0xb8;
	[tilespmem:$0x1C200] =	vst v63  }
0xb0: {  	s17 =	simm.s32 $0x16200  }
0xb1: {  	[tilespmem:s17], [sflag:$0x6] =	stream.indirect_vreg.gather [hbm4b:s8+s3], $0x80, v2, vm0, $0xb8;
	[tilespmem:$0x1C200] =	vst v63  }
0xb2: {  	s20 =	simm.s32 $0x16A00  }
0xb3: {  	[tilespmem:s20], [sflag:$0x6] =	stream.indirect_vreg.gather [hbm4b:s9+s3], $0x80, v2, vm0, $0xb8;
	[tilespmem:$0x1C200] =	vst v63  }
0xb4: {  	s24 =	simm.s32 $0x17200  }
0xb5: {  	[tilespmem:s24], [sflag:$0x6] =	stream.indirect_vreg.gather [hbm4b:s10+s3], $0x80, v2, vm0, $0xb8;
	[tilespmem:$0x1C200] =	vst v63  }
0xb6: {  	s26 =	simm.s32 $0x17A00  }
0xb7: {  	[tilespmem:s26], [sflag:$0x6] =	stream.indirect_vreg.gather [hbm4b:s11+s3], $0x80, v2, vm0, $0xb8;
	[tilespmem:$0x1C200] =	vst v63  }
0xb8: {  	v2 =	vld.msk [tilespmem:$0x30], $0xff;
	_ =	sdelay $0x4  }
0xb9: {  	v3 =	vshll.u32 v2, $0x4  }
0xba: {  	v2 =	vand.u32 $0x7, v2;
	v3 =	vand.u32 $0xFFFFFF80, v3  }
0xbb: {  	v2 =	vor.u32 v2, v3  }
0xbc: {  	v2 =	vperm.xlane v2, v0;
	_ =	sdelay $0x1  }
0xbd: {  	v2 =	vadd.s32 v1, v2;
	_ =	sdelay $0x3  }
0xbe: {  	s31 =	simm.s32 $0x18200  }
0xbf: {  	[tilespmem:s31], [sflag:$0x7] =	stream.indirect_vreg.gather [hbm4b:s2+s3], $0x80, v2, vm0, $0xb8;
	[tilespmem:$0x1C200] =	vst v63  }
0xc0: {  	s4 =	simm.s32 $0x18A00  }
0xc1: {  	[tilespmem:s4], [sflag:$0x7] =	stream.indirect_vreg.gather [hbm4b:s5+s3], $0x80, v2, vm0, $0xb8;
	[tilespmem:$0x1C200] =	vst v63  }
0xc2: {  	s14 =	simm.s32 $0x19200  }
0xc3: {  	[tilespmem:s14], [sflag:$0x7] =	stream.indirect_vreg.gather [hbm4b:s6+s3], $0x80, v2, vm0, $0xb8;
	[tilespmem:$0x1C200] =	vst v63  }
0xc4: {  	s16 =	simm.s32 $0x19A00  }
0xc5: {  	[tilespmem:s16], [sflag:$0x7] =	stream.indirect_vreg.gather [hbm4b:s7+s3], $0x80, v2, vm0, $0xb8;
	[tilespmem:$0x1C200] =	vst v63  }
0xc6: {  	s17 =	simm.s32 $0x1A200  }
0xc7: {  	[tilespmem:s17], [sflag:$0x7] =	stream.indirect_vreg.gather [hbm4b:s8+s3], $0x80, v2, vm0, $0xb8;
	[tilespmem:$0x1C200] =	vst v63  }
0xc8: {  	s20 =	simm.s32 $0x1AA00  }
0xc9: {  	[tilespmem:s20], [sflag:$0x7] =	stream.indirect_vreg.gather [hbm4b:s9+s3], $0x80, v2, vm0, $0xb8;
	[tilespmem:$0x1C200] =	vst v63  }
0xca: {  	s24 =	simm.s32 $0x1B200;
	s26 =	simm.s32 $0x1BA00  }
0xcb: {  	[tilespmem:s24], [sflag:$0x7] =	stream.indirect_vreg.gather [hbm4b:s10+s3], $0x80, v2, vm0, $0xb8;
	[tilespmem:$0x1C200] =	vst v63  }
0xcc: {  	s4 =	simm.s32 $0x4200;
	s14 =	simm.s32 $0x68;
	s17 =	simm.s32 $0x14200  }
0xcd: {  	[tilespmem:s26], [sflag:$0x7] =	stream.indirect_vreg.gather [hbm4b:s11+s3], $0x80, v2, vm0, $0xb8;
	[tilespmem:$0x1C200] =	vst v63  }
0xce: {  	s20 =	simm.s32 $0xC200;
	s24 =	simm.s32 $0x0;
	s26 =	simm.s32 $0x8200  }
.LBB2_2:
0xcf: {  	_ =	swait.ge [sflag:s28], $0x4000  }
0xd0: {  	[sflag:s28] =	ssyncset.done $0x0;
	s0 =	rddreg [dreg:$0x7]  }
0xd1: {  	[sflag:s28] =	ssyncadd.s32 $0xFFFFC000;
	s16 =	sadd.s32 s24, s0;
	s0 =	simm.s32 $0x2  }
0xd2: {  	[hbm4b:s16+s3] =	stream.linear.scatter [tilespmem:s29], [sflag:$0x8], $0x4000, $0x38;
	[tilespmem:$0x1C200] =	vst v63  }
0xd3: {  	_ =	swait.ge [sflag:s0], $0x4000  }
0xd4: {  	[sflag:s0] =	ssyncset.done $0x0  }
0xd5: {  	[sflag:s0] =	ssyncadd.s32 $0xFFFFC000;
	s0 =	sadd.s32 $0x800, s16  }
0xd6: {  	[hbm4b:s0+s3] =	stream.linear.scatter [tilespmem:s4], [sflag:$0x9], $0x4000, $0x38;
	[tilespmem:$0x1C200] =	vst v63  }
0xd7: {  	s0 =	simm.s32 $0x3  }
0xd8: {  	_ =	swait.ge [sflag:s0], $0x4000  }
0xd9: {  	[sflag:s0] =	ssyncset.done $0x0  }
0xda: {  	[sflag:s0] =	ssyncadd.s32 $0xFFFFC000;
	s0 =	sadd.s32 $0x1000, s16  }
0xdb: {  	[hbm4b:s0+s3] =	stream.linear.scatter [tilespmem:s26], [sflag:$0xA], $0x4000, $0x38;
	[tilespmem:$0x1C200] =	vst v63  }
0xdc: {  	s0 =	simm.s32 $0x4  }
0xdd: {  	_ =	swait.ge [sflag:s0], $0x4000  }
0xde: {  	[sflag:s0] =	ssyncset.done $0x0  }
0xdf: {  	[sflag:s0] =	ssyncadd.s32 $0xFFFFC000;
	s0 =	sadd.s32 $0x1800, s16  }
0xe0: {  	[hbm4b:s0+s3] =	stream.linear.scatter [tilespmem:s20], [sflag:$0xB], $0x4000, $0x38;
	[tilespmem:$0x1C200] =	vst v63  }
0xe1: {  	_ =	swait.ge [sflag:s18], $0x4000  }
0xe2: {  	[sflag:s18] =	ssyncset.done $0x0  }
0xe3: {  	s0 =	sadd.s32 $0x2000, s16;
	[sflag:s18] =	ssyncadd.s32 $0xFFFFC000  }
0xe4: {  	[hbm4b:s0+s3] =	stream.linear.scatter [tilespmem:s30], [sflag:$0xC], $0x4000, $0x38;
	[tilespmem:$0x1C200] =	vst v63  }
0xe5: {  	_ =	swait.ge [sflag:s1], $0x4000  }
0xe6: {  	[sflag:s1] =	ssyncset.done $0x0  }
0xe7: {  	s0 =	sadd.s32 $0x2800, s16;
	[sflag:s1] =	ssyncadd.s32 $0xFFFFC000  }
0xe8: {  	[hbm4b:s0+s3] =	stream.linear.scatter [tilespmem:s17], [sflag:$0xD], $0x4000, $0x38;
	[tilespmem:$0x1C200] =	vst v63  }
0xe9: {  	_ =	swait.ge [sflag:s19], $0x4000  }
0xea: {  	[sflag:s19] =	ssyncset.done $0x0  }
0xeb: {  	s16 =	sadd.s32 $0x3000, s16;
	[sflag:s19] =	ssyncadd.s32 $0xFFFFC000  }
0xec: {  	[hbm4b:s16+s3] =	stream.linear.scatter [tilespmem:s31], [sflag:$0xE], $0x4000, $0x38;
	[tilespmem:$0x1C200] =	vst v63  }
0xed: {  	_ =	swait.ge [sflag:s21], $0x4000  }
0xee: {  	[sflag:s21] =	ssyncset.done $0x0  }
0xef: {  	[sflag:s21] =	ssyncadd.s32 $0xFFFFC000  }
0xf0: {  	v2 =	vld.msk [tilespmem:s14+$0xFFFFFFD0], $0xff;
	_ =	sdelay $0x4  }
0xf1: {  	v3 =	vshll.u32 v2, $0x4  }
0xf2: {  	v2 =	vand.u32 $0x7, v2;
	v3 =	vand.u32 $0xFFFFFF80, v3  }
0xf3: {  	v2 =	vor.u32 v2, v3  }
0xf4: {  	v2 =	vperm.xlane v2, v0;
	_ =	sdelay $0x1  }
0xf5: {  	v2 =	vadd.s32 v1, v2;
	_ =	sdelay $0x4  }
0xf6: {  	[tilespmem:s29], [sflag:$0x1] =	stream.indirect_vreg.gather [hbm4b:s2+s3], $0x80, v2, vm0, $0xb8;
	[tilespmem:$0x1C200] =	vst v63  }
0xf7: {  	s31 =	simm.s32 $0xA00  }
0xf8: {  	[tilespmem:s31], [sflag:$0x1] =	stream.indirect_vreg.gather [hbm4b:s5+s3], $0x80, v2, vm0, $0xb8;
	[tilespmem:$0x1C200] =	vst v63  }
0xf9: {  	s16 =	simm.s32 $0x1200  }
0xfa: {  	[tilespmem:s16], [sflag:$0x1] =	stream.indirect_vreg.gather [hbm4b:s6+s3], $0x80, v2, vm0, $0xb8;
	[tilespmem:$0x1C200] =	vst v63  }
0xfb: {  	s31 =	simm.s32 $0x1A00  }
0xfc: {  	[tilespmem:s31], [sflag:$0x1] =	stream.indirect_vreg.gather [hbm4b:s7+s3], $0x80, v2, vm0, $0xb8;
	[tilespmem:$0x1C200] =	vst v63  }
0xfd: {  	s16 =	simm.s32 $0x2200  }
0xfe: {  	[tilespmem:s16], [sflag:$0x1] =	stream.indirect_vreg.gather [hbm4b:s8+s3], $0x80, v2, vm0, $0xb8;
	[tilespmem:$0x1C200] =	vst v63  }
0xff: {  	p0 =	seq.s32 s24, $0x1C000;
	s31 =	simm.s32 $0x2A00  }
0x100: {  	[tilespmem:s31], [sflag:$0x1] =	stream.indirect_vreg.gather [hbm4b:s9+s3], $0x80, v2, vm0, $0xb8;
	[tilespmem:$0x1C200] =	vst v63  }
.Ltmp2:
0x101: {  	_ = 	snop;
	(pc) =	sbr.rel @p0 .LBB2_4-.Ltmp2, $4  }
0x102: {  	s16 =	simm.s32 $0x3200  }
0x103: {  	[tilespmem:s16], [sflag:$0x1] =	stream.indirect_vreg.gather [hbm4b:s10+s3], $0x80, v2, vm0, $0xb8;
	[tilespmem:$0x1C200] =	vst v63  }
0x104: {  	s31 =	simm.s32 $0x3A00;
	s16 =	simm.s32 $0x18200  }
0x105: {  	[tilespmem:s31], [sflag:$0x1] =	stream.indirect_vreg.gather [hbm4b:s11+s3], $0x80, v2, vm0, $0xb8;
	[tilespmem:$0x1C200] =	vst v63  }
0x106: {  	_ =	swait.ge [sflag:s12], $0x4000  }
0x107: {  	[sflag:s12] =	ssyncset.done $0x0  }
0x108: {  	[sflag:s12] =	ssyncadd.s32 $0xFFFFC000  }
0x109: {  	v2 =	vld.msk [tilespmem:s14+$0xFFFFFFD8], $0xff;
	_ =	sdelay $0x4  }
0x10a: {  	v3 =	vshll.u32 v2, $0x4  }
0x10b: {  	v2 =	vand.u32 $0x7, v2;
	v3 =	vand.u32 $0xFFFFFF80, v3  }
0x10c: {  	v2 =	vor.u32 v2, v3  }
0x10d: {  	v2 =	vperm.xlane v2, v0;
	_ =	sdelay $0x1  }
0x10e: {  	v2 =	vadd.s32 v1, v2;
	_ =	sdelay $0x4  }
0x10f: {  	[tilespmem:s4], [sflag:$0x2] =	stream.indirect_vreg.gather [hbm4b:s2+s3], $0x80, v2, vm0, $0xb8;
	[tilespmem:$0x1C200] =	vst v63  }
0x110: {  	s0 =	simm.s32 $0x4A00  }
0x111: {  	[tilespmem:s0], [sflag:$0x2] =	stream.indirect_vreg.gather [hbm4b:s5+s3], $0x80, v2, vm0, $0xb8;
	[tilespmem:$0x1C200] =	vst v63  }
0x112: {  	s0 =	simm.s32 $0x5200  }
0x113: {  	[tilespmem:s0], [sflag:$0x2] =	stream.indirect_vreg.gather [hbm4b:s6+s3], $0x80, v2, vm0, $0xb8;
	[tilespmem:$0x1C200] =	vst v63  }
0x114: {  	s0 =	simm.s32 $0x5A00  }
0x115: {  	[tilespmem:s0], [sflag:$0x2] =	stream.indirect_vreg.gather [hbm4b:s7+s3], $0x80, v2, vm0, $0xb8;
	[tilespmem:$0x1C200] =	vst v63  }
0x116: {  	s0 =	simm.s32 $0x6200  }
0x117: {  	[tilespmem:s0], [sflag:$0x2] =	stream.indirect_vreg.gather [hbm4b:s8+s3], $0x80, v2, vm0, $0xb8;
	[tilespmem:$0x1C200] =	vst v63  }
0x118: {  	s0 =	simm.s32 $0x6A00  }
0x119: {  	[tilespmem:s0], [sflag:$0x2] =	stream.indirect_vreg.gather [hbm4b:s9+s3], $0x80, v2, vm0, $0xb8;
	[tilespmem:$0x1C200] =	vst v63  }
0x11a: {  	s0 =	simm.s32 $0x7200  }
0x11b: {  	[tilespmem:s0], [sflag:$0x2] =	stream.indirect_vreg.gather [hbm4b:s10+s3], $0x80, v2, vm0, $0xb8;
	[tilespmem:$0x1C200] =	vst v63  }
0x11c: {  	s0 =	simm.s32 $0x7A00  }
0x11d: {  	[tilespmem:s0], [sflag:$0x2] =	stream.indirect_vreg.gather [hbm4b:s11+s3], $0x80, v2, vm0, $0xb8;
	[tilespmem:$0x1C200] =	vst v63  }
0x11e: {  	_ =	swait.ge [sflag:s22], $0x4000  }
0x11f: {  	[sflag:s22] =	ssyncset.done $0x0  }
0x120: {  	[sflag:s22] =	ssyncadd.s32 $0xFFFFC000  }
0x121: {  	v2 =	vld.msk [tilespmem:s14+$0xFFFFFFE0], $0xff;
	_ =	sdelay $0x4  }
0x122: {  	v3 =	vshll.u32 v2, $0x4  }
0x123: {  	v2 =	vand.u32 $0x7, v2;
	v3 =	vand.u32 $0xFFFFFF80, v3  }
0x124: {  	v2 =	vor.u32 v2, v3  }
0x125: {  	v2 =	vperm.xlane v2, v0;
	_ =	sdelay $0x1  }
0x126: {  	v2 =	vadd.s32 v1, v2;
	_ =	sdelay $0x4  }
0x127: {  	[tilespmem:s26], [sflag:$0x3] =	stream.indirect_vreg.gather [hbm4b:s2+s3], $0x80, v2, vm0, $0xb8;
	[tilespmem:$0x1C200] =	vst v63  }
0x128: {  	s0 =	simm.s32 $0x8A00  }
0x129: {  	[tilespmem:s0], [sflag:$0x3] =	stream.indirect_vreg.gather [hbm4b:s5+s3], $0x80, v2, vm0, $0xb8;
	[tilespmem:$0x1C200] =	vst v63  }
0x12a: {  	s0 =	simm.s32 $0x9200  }
0x12b: {  	[tilespmem:s0], [sflag:$0x3] =	stream.indirect_vreg.gather [hbm4b:s6+s3], $0x80, v2, vm0, $0xb8;
	[tilespmem:$0x1C200] =	vst v63  }
0x12c: {  	s0 =	simm.s32 $0x9A00  }
0x12d: {  	[tilespmem:s0], [sflag:$0x3] =	stream.indirect_vreg.gather [hbm4b:s7+s3], $0x80, v2, vm0, $0xb8;
	[tilespmem:$0x1C200] =	vst v63  }
0x12e: {  	s0 =	simm.s32 $0xA200  }
0x12f: {  	[tilespmem:s0], [sflag:$0x3] =	stream.indirect_vreg.gather [hbm4b:s8+s3], $0x80, v2, vm0, $0xb8;
	[tilespmem:$0x1C200] =	vst v63  }
0x130: {  	s0 =	simm.s32 $0xAA00  }
0x131: {  	[tilespmem:s0], [sflag:$0x3] =	stream.indirect_vreg.gather [hbm4b:s9+s3], $0x80, v2, vm0, $0xb8;
	[tilespmem:$0x1C200] =	vst v63  }
0x132: {  	s0 =	simm.s32 $0xB200  }
0x133: {  	[tilespmem:s0], [sflag:$0x3] =	stream.indirect_vreg.gather [hbm4b:s10+s3], $0x80, v2, vm0, $0xb8;
	[tilespmem:$0x1C200] =	vst v63  }
0x134: {  	s0 =	simm.s32 $0xBA00  }
0x135: {  	[tilespmem:s0], [sflag:$0x3] =	stream.indirect_vreg.gather [hbm4b:s11+s3], $0x80, v2, vm0, $0xb8;
	[tilespmem:$0x1C200] =	vst v63  }
0x136: {  	_ =	swait.ge [sflag:s13], $0x4000  }
0x137: {  	[sflag:s13] =	ssyncset.done $0x0  }
0x138: {  	[sflag:s13] =	ssyncadd.s32 $0xFFFFC000  }
0x139: {  	v2 =	vld.msk [tilespmem:s14+$0xFFFFFFE8], $0xff;
	_ =	sdelay $0x4  }
0x13a: {  	v3 =	vshll.u32 v2, $0x4  }
0x13b: {  	v2 =	vand.u32 $0x7, v2;
	v3 =	vand.u32 $0xFFFFFF80, v3  }
0x13c: {  	v2 =	vor.u32 v2, v3  }
0x13d: {  	v2 =	vperm.xlane v2, v0;
	_ =	sdelay $0x1  }
0x13e: {  	v2 =	vadd.s32 v1, v2;
	_ =	sdelay $0x4  }
0x13f: {  	[tilespmem:s20], [sflag:$0x4] =	stream.indirect_vreg.gather [hbm4b:s2+s3], $0x80, v2, vm0, $0xb8;
	[tilespmem:$0x1C200] =	vst v63  }
0x140: {  	s0 =	simm.s32 $0xCA00  }
0x141: {  	[tilespmem:s0], [sflag:$0x4] =	stream.indirect_vreg.gather [hbm4b:s5+s3], $0x80, v2, vm0, $0xb8;
	[tilespmem:$0x1C200] =	vst v63  }
0x142: {  	s0 =	simm.s32 $0xD200  }
0x143: {  	[tilespmem:s0], [sflag:$0x4] =	stream.indirect_vreg.gather [hbm4b:s6+s3], $0x80, v2, vm0, $0xb8;
	[tilespmem:$0x1C200] =	vst v63  }
0x144: {  	s0 =	simm.s32 $0xDA00  }
0x145: {  	[tilespmem:s0], [sflag:$0x4] =	stream.indirect_vreg.gather [hbm4b:s7+s3], $0x80, v2, vm0, $0xb8;
	[tilespmem:$0x1C200] =	vst v63  }
0x146: {  	s0 =	simm.s32 $0xE200  }
0x147: {  	[tilespmem:s0], [sflag:$0x4] =	stream.indirect_vreg.gather [hbm4b:s8+s3], $0x80, v2, vm0, $0xb8;
	[tilespmem:$0x1C200] =	vst v63  }
0x148: {  	s0 =	simm.s32 $0xEA00  }
0x149: {  	[tilespmem:s0], [sflag:$0x4] =	stream.indirect_vreg.gather [hbm4b:s9+s3], $0x80, v2, vm0, $0xb8;
	[tilespmem:$0x1C200] =	vst v63  }
0x14a: {  	s0 =	simm.s32 $0xF200  }
0x14b: {  	[tilespmem:s0], [sflag:$0x4] =	stream.indirect_vreg.gather [hbm4b:s10+s3], $0x80, v2, vm0, $0xb8;
	[tilespmem:$0x1C200] =	vst v63  }
0x14c: {  	s0 =	simm.s32 $0xFA00  }
0x14d: {  	[tilespmem:s0], [sflag:$0x4] =	stream.indirect_vreg.gather [hbm4b:s11+s3], $0x80, v2, vm0, $0xb8;
	[tilespmem:$0x1C200] =	vst v63  }
0x14e: {  	_ =	swait.ge [sflag:s23], $0x4000  }
0x14f: {  	[sflag:s23] =	ssyncset.done $0x0  }
0x150: {  	[sflag:s23] =	ssyncadd.s32 $0xFFFFC000  }
0x151: {  	v2 =	vld.msk [tilespmem:s14+$0xFFFFFFF0], $0xff;
	_ =	sdelay $0x4  }
0x152: {  	v3 =	vshll.u32 v2, $0x4  }
0x153: {  	v2 =	vand.u32 $0x7, v2;
	v3 =	vand.u32 $0xFFFFFF80, v3  }
0x154: {  	v2 =	vor.u32 v2, v3  }
0x155: {  	v2 =	vperm.xlane v2, v0;
	_ =	sdelay $0x1  }
0x156: {  	v2 =	vadd.s32 v1, v2;
	_ =	sdelay $0x4  }
0x157: {  	[tilespmem:s30], [sflag:$0x5] =	stream.indirect_vreg.gather [hbm4b:s2+s3], $0x80, v2, vm0, $0xb8;
	[tilespmem:$0x1C200] =	vst v63  }
0x158: {  	s0 =	simm.s32 $0x10A00  }
0x159: {  	[tilespmem:s0], [sflag:$0x5] =	stream.indirect_vreg.gather [hbm4b:s5+s3], $0x80, v2, vm0, $0xb8;
	[tilespmem:$0x1C200] =	vst v63  }
0x15a: {  	s0 =	simm.s32 $0x11200  }
0x15b: {  	[tilespmem:s0], [sflag:$0x5] =	stream.indirect_vreg.gather [hbm4b:s6+s3], $0x80, v2, vm0, $0xb8;
	[tilespmem:$0x1C200] =	vst v63  }
0x15c: {  	s0 =	simm.s32 $0x11A00  }
0x15d: {  	[tilespmem:s0], [sflag:$0x5] =	stream.indirect_vreg.gather [hbm4b:s7+s3], $0x80, v2, vm0, $0xb8;
	[tilespmem:$0x1C200] =	vst v63  }
0x15e: {  	s0 =	simm.s32 $0x12200  }
0x15f: {  	[tilespmem:s0], [sflag:$0x5] =	stream.indirect_vreg.gather [hbm4b:s8+s3], $0x80, v2, vm0, $0xb8;
	[tilespmem:$0x1C200] =	vst v63  }
0x160: {  	s0 =	simm.s32 $0x12A00  }
0x161: {  	[tilespmem:s0], [sflag:$0x5] =	stream.indirect_vreg.gather [hbm4b:s9+s3], $0x80, v2, vm0, $0xb8;
	[tilespmem:$0x1C200] =	vst v63  }
0x162: {  	s0 =	simm.s32 $0x13200  }
0x163: {  	[tilespmem:s0], [sflag:$0x5] =	stream.indirect_vreg.gather [hbm4b:s10+s3], $0x80, v2, vm0, $0xb8;
	[tilespmem:$0x1C200] =	vst v63  }
0x164: {  	s0 =	simm.s32 $0x13A00  }
0x165: {  	[tilespmem:s0], [sflag:$0x5] =	stream.indirect_vreg.gather [hbm4b:s11+s3], $0x80, v2, vm0, $0xb8;
	[tilespmem:$0x1C200] =	vst v63  }
0x166: {  	_ =	swait.ge [sflag:s15], $0x4000  }
0x167: {  	[sflag:s15] =	ssyncset.done $0x0  }
0x168: {  	[sflag:s15] =	ssyncadd.s32 $0xFFFFC000  }
0x169: {  	v2 =	vld.msk [tilespmem:s14+$0xFFFFFFF8], $0xff;
	_ =	sdelay $0x4  }
0x16a: {  	v3 =	vshll.u32 v2, $0x4  }
0x16b: {  	v2 =	vand.u32 $0x7, v2;
	v3 =	vand.u32 $0xFFFFFF80, v3  }
0x16c: {  	v2 =	vor.u32 v2, v3  }
0x16d: {  	v2 =	vperm.xlane v2, v0;
	_ =	sdelay $0x1  }
0x16e: {  	v2 =	vadd.s32 v1, v2;
	_ =	sdelay $0x4  }
0x16f: {  	[tilespmem:s17], [sflag:$0x6] =	stream.indirect_vreg.gather [hbm4b:s2+s3], $0x80, v2, vm0, $0xb8;
	[tilespmem:$0x1C200] =	vst v63  }
0x170: {  	s0 =	simm.s32 $0x14A00  }
0x171: {  	[tilespmem:s0], [sflag:$0x6] =	stream.indirect_vreg.gather [hbm4b:s5+s3], $0x80, v2, vm0, $0xb8;
	[tilespmem:$0x1C200] =	vst v63  }
0x172: {  	s0 =	simm.s32 $0x15200  }
0x173: {  	[tilespmem:s0], [sflag:$0x6] =	stream.indirect_vreg.gather [hbm4b:s6+s3], $0x80, v2, vm0, $0xb8;
	[tilespmem:$0x1C200] =	vst v63  }
0x174: {  	s0 =	simm.s32 $0x15A00  }
0x175: {  	[tilespmem:s0], [sflag:$0x6] =	stream.indirect_vreg.gather [hbm4b:s7+s3], $0x80, v2, vm0, $0xb8;
	[tilespmem:$0x1C200] =	vst v63  }
0x176: {  	s0 =	simm.s32 $0x16200  }
0x177: {  	[tilespmem:s0], [sflag:$0x6] =	stream.indirect_vreg.gather [hbm4b:s8+s3], $0x80, v2, vm0, $0xb8;
	[tilespmem:$0x1C200] =	vst v63  }
0x178: {  	s0 =	simm.s32 $0x16A00  }
0x179: {  	[tilespmem:s0], [sflag:$0x6] =	stream.indirect_vreg.gather [hbm4b:s9+s3], $0x80, v2, vm0, $0xb8;
	[tilespmem:$0x1C200] =	vst v63  }
0x17a: {  	s0 =	simm.s32 $0x17200  }
0x17b: {  	[tilespmem:s0], [sflag:$0x6] =	stream.indirect_vreg.gather [hbm4b:s10+s3], $0x80, v2, vm0, $0xb8;
	[tilespmem:$0x1C200] =	vst v63  }
0x17c: {  	s0 =	simm.s32 $0x17A00  }
0x17d: {  	[tilespmem:s0], [sflag:$0x6] =	stream.indirect_vreg.gather [hbm4b:s11+s3], $0x80, v2, vm0, $0xb8;
	[tilespmem:$0x1C200] =	vst v63  }
0x17e: {  	_ =	swait.ge [sflag:s25], $0x4000  }
0x17f: {  	[sflag:s25] =	ssyncset.done $0x0  }
0x180: {  	[sflag:s25] =	ssyncadd.s32 $0xFFFFC000  }
0x181: {  	v2 =	vld.msk [tilespmem:s14+$0x0], $0xff;
	_ =	sdelay $0x4  }
0x182: {  	v3 =	vshll.u32 v2, $0x4  }
0x183: {  	v2 =	vand.u32 $0x7, v2;
	v3 =	vand.u32 $0xFFFFFF80, v3  }
0x184: {  	v2 =	vor.u32 v2, v3  }
0x185: {  	v2 =	vperm.xlane v2, v0;
	_ =	sdelay $0x1  }
0x186: {  	v2 =	vadd.s32 v1, v2;
	_ =	sdelay $0x4  }
0x187: {  	[tilespmem:s16], [sflag:$0x7] =	stream.indirect_vreg.gather [hbm4b:s2+s3], $0x80, v2, vm0, $0xb8;
	[tilespmem:$0x1C200] =	vst v63  }
0x188: {  	s16 =	simm.s32 $0x18A00  }
0x189: {  	[tilespmem:s16], [sflag:$0x7] =	stream.indirect_vreg.gather [hbm4b:s5+s3], $0x80, v2, vm0, $0xb8;
	[tilespmem:$0x1C200] =	vst v63  }
0x18a: {  	s16 =	simm.s32 $0x19200  }
0x18b: {  	[tilespmem:s16], [sflag:$0x7] =	stream.indirect_vreg.gather [hbm4b:s6+s3], $0x80, v2, vm0, $0xb8;
	[tilespmem:$0x1C200] =	vst v63  }
0x18c: {  	s16 =	simm.s32 $0x19A00  }
0x18d: {  	[tilespmem:s16], [sflag:$0x7] =	stream.indirect_vreg.gather [hbm4b:s7+s3], $0x80, v2, vm0, $0xb8;
	[tilespmem:$0x1C200] =	vst v63  }
0x18e: {  	s16 =	simm.s32 $0x1A200  }
0x18f: {  	[tilespmem:s16], [sflag:$0x7] =	stream.indirect_vreg.gather [hbm4b:s8+s3], $0x80, v2, vm0, $0xb8;
	[tilespmem:$0x1C200] =	vst v63  }
0x190: {  	s16 =	simm.s32 $0x1AA00  }
0x191: {  	[tilespmem:s16], [sflag:$0x7] =	stream.indirect_vreg.gather [hbm4b:s9+s3], $0x80, v2, vm0, $0xb8;
	[tilespmem:$0x1C200] =	vst v63  }
.Ltmp3:
0x192: {  	_ = 	snop;
	(pc) =	sbr.rel .LBB2_2-.Ltmp3, $4  }
0x193: {  	s24 =	sadd.s32 $0x3800, s24;
	s16 =	simm.s32 $0x1B200  }
0x194: {  	[tilespmem:s16], [sflag:$0x7] =	stream.indirect_vreg.gather [hbm4b:s10+s3], $0x80, v2, vm0, $0xb8;
	[tilespmem:$0x1C200] =	vst v63  }
0x195: {  	s31 =	simm.s32 $0x18200;
	s14 =	sadd.s32 $0x38, s14;
	s16 =	simm.s32 $0x1BA00  }
0x196: {  	[tilespmem:s16], [sflag:$0x7] =	stream.indirect_vreg.gather [hbm4b:s11+s3], $0x80, v2, vm0, $0xb8;
	[tilespmem:$0x1C200] =	vst v63  }
.LBB2_5:
0x197: {  	_ =	sfence.sel $0x180000  }
0x198: {  	[bflag:$0x0] =	sbarrier.arrive $0xFFFF  }
0x199: {  	_ =	strace $0x90000047  }
0x19a: {  	s0 =	stileid.u32;
	[bflag:$0x2] =	sbarrier.arrive $0xFFFF  }
0x19b: {  	p0 =	sne.s32 s0, $0x0;
	s0 =	rddreg [dreg:$0x3]  }
0x19c: {  	s0 =	sadd.s32 @!p0 $0x100000, s0  }
0x19d: {  	[sflag:s0] =	ssyncadd.tile.s32 @!p0 $0x1;
	_ =	shalt  }
.Lfunc_end2:
_tile_overlayer_lowered:
.L_overlay_start_2:
0x19e: {  	(tag) =	ssettag $0x2  }
0x19f: {  	s0 =	rddreg [dreg:$0x0];
	s2 =	stileid.u32  }
0x1a0: {  	s1 =	rddreg [dreg:$0x1];
	p0 =	sne.s32 s2, $0x0  }
0x1a1: {  	s3 =	rddreg [dreg:$0x2];
	[bflag:$0x3] =	sbarrier.arrive $0xFFFF;
	s2 =	simm.s32 @!p0 $0x1C0F  }
0x1a2: {  	[timem:s3], [sflag:s2] =	dma.local @!p0 [hbm:s0], s1  }
0x1a3: {  	s0 =	simm.s32 @!p0 $0xF  }
0x1a4: {  	_ =	swait.ge @!p0 [sflag:s0], s1  }
0x1a5: {  	s1 =	ssub.s32 @!p0 $0x0, s1;
	[sflag:s0] =	ssyncset.done @!p0 $0x0  }
0x1a6: {  	[sflag:s0] =	ssyncadd.s32 @!p0 s1  }
0x1a7: {  	[bflag:$0x3] =	sbarrier.arrive $0xFFFF  }
0x1a8: {  	_ =	shalt  }

</sc_bundles>
